<compile_context>
chip_gen: v7x
topology: tpu7x:2x2x1
jax: 0.10.2.dev20260603
libtpu: 0.0.44.dev20260713+nightly
codegen_flags: <defaults>
</compile_context>

<pallas_src>
import functools

import jax
import jax.numpy as jnp
from jax import lax
from jax.experimental import pallas as pl
from jax.experimental.pallas import tpu as pltpu
from jax.experimental.pallas import tpu_sc as plsc

N = 10000
E = 320000
D = 128
G = 64

NC = 2
NS = 16
NW = NC * NS
EPT = E // NW
C = 80
NCH = EPT // C
NP = 10240
RPT = NP // NS

BN = 1000
NB = N // BN


def _sc_segment_sum(x, src, dst3d):
    mesh = plsc.VectorSubcoreMesh(core_axis_name="c", subcore_axis_name="s")

    @functools.partial(
        pl.kernel,
        mesh=mesh,
        out_type=jax.ShapeDtypeStruct((NC, NP, D), jnp.float32),
        scratch_types=[
            pltpu.VMEM((EPT,), jnp.int32),
            pltpu.VMEM((NCH, C), jnp.int32),
            pltpu.VMEM((2, C, D), jnp.float32),
            pltpu.VMEM_SHARED((NP, D), jnp.float32),
            pltpu.SemaphoreType.DMA,
            pltpu.SemaphoreType.DMA,
        ],
    )
    def seg(x_hbm, src_hbm, dst_hbm, out_hbm,
            src_v, dst_v, rows_v, acc_sh, sem_a, sem_b):
        c = lax.axis_index("c")
        s = lax.axis_index("s")
        wid = s * NC + c

        idx_cp_a = pltpu.async_copy(
            src_hbm.at[pl.ds(wid * EPT, EPT)], src_v, sem_a)
        idx_cp_b = pltpu.async_copy(dst_hbm.at[wid], dst_v, sem_b)

        def zrow(i, carry):
            def zcol(l, carry2):
                rows_v[1, i, pl.ds(l * 16, 16)] = jnp.zeros((16,),
                                                            jnp.float32)
                return carry2
            return lax.fori_loop(0, D // 16, zcol, carry)
        lax.fori_loop(0, C, zrow, 0)

        def zcp(k, carry):
            pltpu.sync_copy(rows_v.at[1], acc_sh.at[pl.ds(s * RPT + k * C, C)])
            return carry
        lax.fori_loop(0, RPT // C, zcp, 0)

        idx_cp_a.wait()
        idx_cp_b.wait()

        def gath(j, buf, sem):
            return pltpu.async_copy(
                x_hbm.at[src_v.at[pl.ds(j * C, C)]], rows_v.at[buf], sem)

        gath(0, 0, sem_a)
        gath(1, 1, sem_b)

        plsc.subcore_barrier()

        def body(t, carry):
            j0 = 2 * t
            pltpu.make_async_copy(
                x_hbm.at[src_v.at[pl.ds(j0 * C, C)]], rows_v.at[0],
                sem_a).wait()
            pltpu.sync_copy(rows_v.at[0], acc_sh.at[dst_v.at[j0]], add=True)
            gath(j0 + 2, 0, sem_a)
            pltpu.make_async_copy(
                x_hbm.at[src_v.at[pl.ds((j0 + 1) * C, C)]], rows_v.at[1],
                sem_b).wait()
            pltpu.sync_copy(rows_v.at[1], acc_sh.at[dst_v.at[j0 + 1]],
                            add=True)
            gath(j0 + 3, 1, sem_b)
            return carry
        lax.fori_loop(0, (NCH - 3) // 2, body, 0)

        j2, j1, j0e = NCH - 3, NCH - 2, NCH - 1
        pltpu.make_async_copy(
            x_hbm.at[src_v.at[pl.ds(j2 * C, C)]], rows_v.at[0], sem_a).wait()
        pltpu.sync_copy(rows_v.at[0], acc_sh.at[dst_v.at[j2]], add=True)
        gath(j0e, 0, sem_a)
        pltpu.make_async_copy(
            x_hbm.at[src_v.at[pl.ds(j1 * C, C)]], rows_v.at[1], sem_b).wait()
        pltpu.sync_copy(rows_v.at[1], acc_sh.at[dst_v.at[j1]], add=True)
        pltpu.make_async_copy(
            x_hbm.at[src_v.at[pl.ds(j0e * C, C)]], rows_v.at[0], sem_a).wait()
        pltpu.sync_copy(rows_v.at[0], acc_sh.at[dst_v.at[j0e]], add=True)

        plsc.subcore_barrier()

        def wb(k, carry):
            base = s * RPT + k * C
            pltpu.sync_copy(acc_sh.at[pl.ds(base, C)],
                            out_hbm.at[c, pl.ds(base, C)])
            return carry
        lax.fori_loop(0, RPT // C, wb, 0)

    return seg(x, src, dst3d)


def _tc_mlp(x, parts, Wa, ba, Wb, bb):
    def body(x_ref, p_ref, wa, ba_r, wb, bb_r, o_ref):
        z = x_ref[...] + p_ref[0] + p_ref[1]
        h = jnp.maximum(
            jnp.dot(z, wa[...], preferred_element_type=jnp.float32)
            + ba_r[...], 0.0)
        h = jnp.dot(h, wb[...], preferred_element_type=jnp.float32) + bb_r[...]
        o_ref[...] = jnp.maximum(h, 0.0)

    return pl.pallas_call(
        body,
        grid=(NB,),
        in_specs=[
            pl.BlockSpec((BN, D), lambda i: (i, 0)),
            pl.BlockSpec((NC, BN, D), lambda i: (0, i, 0)),
            pl.BlockSpec((D, D), lambda i: (0, 0)),
            pl.BlockSpec((1, D), lambda i: (0, 0)),
            pl.BlockSpec((D, D), lambda i: (0, 0)),
            pl.BlockSpec((1, D), lambda i: (0, 0)),
        ],
        out_specs=pl.BlockSpec((BN, D), lambda i: (i, 0)),
        out_shape=jax.ShapeDtypeStruct((N, D), jnp.float32),
    )(x, parts, Wa, ba.reshape(1, D), Wb, bb.reshape(1, D))


def _tc_mlp_pool(h1, parts, Wa, ba, Wb, bb, batch3, fc_w, fc_b):
    def body(h_ref, p_ref, wa, ba_r, wb, bb_r, b_ref, fw, fb,
             o_ref, acc, cnt):
        i = pl.program_id(0)

        @pl.when(i == 0)
        def _():
            acc[...] = jnp.zeros_like(acc)
            cnt[...] = jnp.zeros_like(cnt)

        z = h_ref[...] + p_ref[0] + p_ref[1]
        h = jnp.maximum(
            jnp.dot(z, wa[...], preferred_element_type=jnp.float32)
            + ba_r[...], 0.0)
        h = jnp.maximum(
            jnp.dot(h, wb[...], preferred_element_type=jnp.float32)
            + bb_r[...], 0.0)

        b = b_ref[0, 0, :]
        ohT = (lax.broadcasted_iota(jnp.int32, (G, BN), 0)
               == b[None, :]).astype(jnp.float32)
        acc[...] += jnp.dot(ohT, h, preferred_element_type=jnp.float32)
        cnt[...] += jnp.sum(ohT, axis=1, keepdims=True)

        @pl.when(i == NB - 1)
        def _():
            pooled = acc[...] / jnp.maximum(cnt[...], 1.0)
            o_ref[...] = (jnp.dot(pooled, fw[...],
                                  preferred_element_type=jnp.float32)
                          + fb[...])

    return pl.pallas_call(
        body,
        grid=(NB,),
        in_specs=[
            pl.BlockSpec((BN, D), lambda i: (i, 0)),
            pl.BlockSpec((NC, BN, D), lambda i: (0, i, 0)),
            pl.BlockSpec((D, D), lambda i: (0, 0)),
            pl.BlockSpec((1, D), lambda i: (0, 0)),
            pl.BlockSpec((D, D), lambda i: (0, 0)),
            pl.BlockSpec((1, D), lambda i: (0, 0)),
            pl.BlockSpec((1, 1, BN), lambda i: (i, 0, 0)),
            pl.BlockSpec((D, 1), lambda i: (0, 0)),
            pl.BlockSpec((1, 1), lambda i: (0, 0)),
        ],
        out_specs=pl.BlockSpec((G, 1), lambda i: (0, 0)),
        out_shape=jax.ShapeDtypeStruct((G, 1), jnp.float32),
        scratch_shapes=[
            pltpu.VMEM((G, D), jnp.float32),
            pltpu.VMEM((G, 1), jnp.float32),
        ],
    )(h1, parts, Wa, ba.reshape(1, D), Wb, bb.reshape(1, D),
      batch3, fc_w, fc_b.reshape(1, 1))


def kernel(x, edge_index, batch, W1a, b1a, W1b, b1b, W2a, b2a, W2b, b2b,
           fc_w, fc_b):
    src = edge_index[0]
    dst3d = edge_index[1].reshape(NW, NCH, C)
    batch3 = batch.reshape(NB, 1, BN)

    parts1 = _sc_segment_sum(x, src, dst3d)
    h1 = _tc_mlp(x, parts1, W1a, b1a, W1b, b1b)
    parts2 = _sc_segment_sum(h1, src, dst3d)
    out = _tc_mlp_pool(h1, parts2, W2a, b2a, W2b, b2b, batch3, fc_w, fc_b)
    return out.reshape(G)

# --- scband reference (transcript-rebuilt; emitter-appended) ---
"""Pipeline reference for scband-gin-55585466744867 (READ-ONLY COPY).

The authoritative reference and input builder live on the scoring server;
editing this copy changes nothing except your own understanding.
"""

import jax, jax.numpy as jnp
import numpy as np

N = 10000
E = 320000
D = 128
H = 128
G = 64
EPS = 0.0


def _linear_init(key, fan_in, fan_out):
    bound = 1.0 / np.sqrt(fan_in)
    kw, kb = jax.random.split(key)
    W = jax.random.uniform(kw, (fan_in, fan_out), minval=-bound, maxval=bound, dtype=jnp.float32)
    b = jax.random.uniform(kb, (fan_out,), minval=-bound, maxval=bound, dtype=jnp.float32)
    return W, b


def setup_inputs(seed: int = 0) -> dict:
    key = jax.random.key(seed)
    ks = jax.random.split(key, 8)
    x = jax.random.normal(ks[0], (N, D), dtype=jnp.float32)
    edge_index = jax.random.randint(ks[1], (2, E), 0, N, dtype=jnp.int32)
    batch = jnp.sort(jax.random.randint(ks[2], (N,), 0, G, dtype=jnp.int32))
    W1a, b1a = _linear_init(ks[3], D, H)
    W1b, b1b = _linear_init(ks[4], H, H)
    W2a, b2a = _linear_init(ks[5], H, H)
    W2b, b2b = _linear_init(ks[6], H, H)
    fc_w, fc_b = _linear_init(ks[7], H, 1)
    return {"x": x, "edge_index": edge_index, "batch": batch,
            "W1a": W1a, "b1a": b1a, "W1b": W1b, "b1b": b1b,
            "W2a": W2a, "b2a": b2a, "W2b": W2b, "b2b": b2b,
            "fc_w": fc_w, "fc_b": fc_b}


def _gin_conv(x, edge_index, Wa, ba, Wb, bb):
    src = edge_index[0]
    dst = edge_index[1]
    # sum aggregation of neighbor messages (scatter-add by destination node)
    agg = jax.ops.segment_sum(x[src], dst, num_segments=N)
    z = (1.0 + EPS) * x + agg
    h = jnp.maximum(z @ Wa + ba, 0.0)
    return h @ Wb + bb


def reference(x, edge_index, batch, W1a, b1a, W1b, b1b, W2a, b2a, W2b, b2b, fc_w, fc_b):
    h = _gin_conv(x, edge_index, W1a, b1a, W1b, b1b)
    h = jnp.maximum(h, 0.0)
    h = _gin_conv(h, edge_index, W2a, b2a, W2b, b2b)
    h = jnp.maximum(h, 0.0)
    # global mean pool over graphs in the batch
    sums = jax.ops.segment_sum(h, batch, num_segments=G)
    counts = jax.ops.segment_sum(jnp.ones((N,), dtype=jnp.float32), batch, num_segments=G)
    pooled = sums / jnp.maximum(counts, 1.0)[:, None]
    out = pooled @ fc_w + fc_b
    return jnp.squeeze(out, axis=-1)

if __name__ == "__main__":
    import jax
    _d = setup_inputs()
    print(jax.jit(kernel)(*tuple(_d.values())))

</pallas_src>

<mosaic_0001>
#map = affine_map<(d0, d1) -> (0, 0)>
#map1 = affine_map<(d0, d1) -> (0)>
#map2 = affine_map<(d0, d1) -> (0, 0, 0)>
module attributes {stable_mosaic.version = 14 : i64} {
  func.func @seg(%arg0: i32, %arg1: i32, %arg2: memref<10000x128xf32, #tpu.memory_space<hbm>>, %arg3: memref<320000xi32, #tpu.memory_space<hbm>>, %arg4: memref<32x125x80xi32, #tpu.memory_space<hbm>>, %arg5: memref<2x10240x128xf32, #tpu.memory_space<hbm>>, %arg6: memref<10000xi32, #tpu.memory_space<vmem>>, %arg7: memref<125x80xi32, #tpu.memory_space<vmem>>, %arg8: memref<2x80x128xf32, #tpu.memory_space<vmem>>, %arg9: memref<10240x128xf32, #tpu.memory_space<vmem_shared>>, %arg10: memref<!tpu.dma_semaphore, #tpu.memory_space<semaphore_mem>>, %arg11: memref<!tpu.dma_semaphore, #tpu.memory_space<semaphore_mem>>) attributes {dimension_semantics = [#tpu.dimension_semantics<core_parallel>, #tpu.dimension_semantics<subcore_parallel>], iteration_bounds = array<i64: 2, 16>, scalar_prefetch = 0 : i64, scratch_operands = 6 : i64, tpu.core_type = #tpu.core_type<sc_vector_subcore>, window_params = [{transform_indices = #map}, {transform_indices = #map1}, {transform_indices = #map2}, {transform_indices = #map2}]} {
    %mul3A = arith.constant 2 : i32
    %mul3A_0 = arith.muli %arg1, %mul3A : i32
    %add3A = arith.addi %mul3A_0, %arg0 : i32
    %mul3A_1 = arith.constant 10000 : i32
    %mul3A_2 = arith.muli %add3A, %mul3A_1 : i32
    %dma_start3A = tpu.memref_slice %arg3[%mul3A_2] : memref<320000xi32, #tpu.memory_space<hbm>> -> memref<10000xi32, #tpu.memory_space<hbm>>
    %dma_start3A_3 = tpu.memref_slice %arg3[%mul3A_2] : memref<320000xi32, #tpu.memory_space<hbm>> -> memref<10000xi32, #tpu.memory_space<hbm>>
    tpu.enqueue_dma source(%dma_start3A_3 : memref<10000xi32, #tpu.memory_space<hbm>>) target(%arg6 : memref<10000xi32, #tpu.memory_space<vmem>>) target_semaphore(%arg10 : memref<!tpu.dma_semaphore, #tpu.memory_space<semaphore_mem>>)
    %dma_start3A_4 = arith.constant 0 : i32
    %dma_start3A_5 = arith.constant 0 : i32
    %dma_start3A_6 = tpu.memref_slice %arg4[%add3A, %dma_start3A_4, %dma_start3A_5] : memref<32x125x80xi32, #tpu.memory_space<hbm>> -> memref<1x125x80xi32, #tpu.memory_space<hbm>>
    %dma_start3A_7 = tpu.memref_squeeze %dma_start3A_6 : memref<1x125x80xi32, #tpu.memory_space<hbm>> -> memref<125x80xi32, #tpu.memory_space<hbm>>
    %dma_start3A_8 = arith.constant 0 : i32
    %dma_start3A_9 = arith.constant 0 : i32
    %dma_start3A_10 = tpu.memref_slice %arg4[%add3A, %dma_start3A_8, %dma_start3A_9] : memref<32x125x80xi32, #tpu.memory_space<hbm>> -> memref<1x125x80xi32, #tpu.memory_space<hbm>>
    %dma_start3A_11 = tpu.memref_squeeze %dma_start3A_10 : memref<1x125x80xi32, #tpu.memory_space<hbm>> -> memref<125x80xi32, #tpu.memory_space<hbm>>
    tpu.enqueue_dma source(%dma_start3A_11 : memref<125x80xi32, #tpu.memory_space<hbm>>) target(%arg7 : memref<125x80xi32, #tpu.memory_space<vmem>>) target_semaphore(%arg11 : memref<!tpu.dma_semaphore, #tpu.memory_space<semaphore_mem>>)
    %scan3A = arith.constant 0 : i32
    %scan3A_12 = arith.constant 0 : i32
    %scan3A_13 = arith.constant 80 : i32
    %scan3A_14 = arith.addi %scan3A_12, %scan3A_13 : i32
    %scan3A_15 = arith.constant 1 : i32
    scf.for %scan3A_110 = %scan3A_12 to %scan3A_14 step %scan3A_15  : i32 {
      %scan3A_111 = arith.constant 0 : i32
      %scan3A_112 = arith.constant 8 : i32
      %scan3A_113 = arith.addi %scan3A_111, %scan3A_112 : i32
      %scan3A_114 = arith.constant 1 : i32
      scf.for %scan3A_116 = %scan3A_111 to %scan3A_113 step %scan3A_114  : i32 {
        %broadcast_in_dim3A = arith.constant 0.000000e+00 : f32
        %broadcast_in_dim3A_117 = vector.broadcast %broadcast_in_dim3A : f32 to vector<16xf32>
        %mul3A_118 = arith.constant 16 : i32
        %mul3A_119 = arith.muli %scan3A_116, %mul3A_118 : i32
        %swap3A = arith.constant 1 : i32
        %swap3A_120 = arith.index_cast %swap3A : i32 to index
        %swap3A_121 = arith.index_cast %scan3A_110 : i32 to index
        %swap3A_122 = arith.index_cast %mul3A_119 : i32 to index
        %swap3A_123 = tpu.vector_load %arg8[%swap3A_120, %swap3A_121, %swap3A_122] {strides = array<i32>} : memref<2x80x128xf32, #tpu.memory_space<vmem>>, vector<1x1x16xf32>,
        %swap3A_124 = vector.shape_cast %swap3A_123 : vector<1x1x16xf32> to vector<16xf32>
        %swap3A_125 = vector.shape_cast %broadcast_in_dim3A_117 : vector<16xf32> to vector<1x1x16xf32>
        tpu.vector_store %arg8[%swap3A_120, %swap3A_121, %swap3A_122], %swap3A_125 {strides = array<i32>} : memref<2x80x128xf32, #tpu.memory_space<vmem>>, vector<1x1x16xf32>,
      }
      %scan3A_115 = arith.constant 8 : i32
    }
    %scan3A_16 = arith.constant 80 : i32
    %scan3A_17 = arith.constant 0 : i32
    %scan3A_18 = arith.constant 0 : i32
    %scan3A_19 = arith.constant 8 : i32
    %scan3A_20 = arith.addi %scan3A_18, %scan3A_19 : i32
    %scan3A_21 = arith.constant 1 : i32
    scf.for %scan3A_110 = %scan3A_18 to %scan3A_20 step %scan3A_21  : i32 {
      %mul3A_111 = arith.constant 640 : i32
      %mul3A_112 = arith.muli %arg1, %mul3A_111 : i32
      %mul3A_113 = arith.constant 80 : i32
      %mul3A_114 = arith.muli %scan3A_110, %mul3A_113 : i32
      %add3A_115 = arith.addi %mul3A_112, %mul3A_114 : i32
      %run_scoped3A_116 = arith.constant 1 : i32
      "tpu.region"() ({
        %run_scoped3A_117 = tpu.sem_alloc : memref<!tpu.dma_semaphore, #tpu.memory_space<semaphore_mem>>
        %dma_start3A_118 = arith.constant 0 : i32
        %dma_start3A_119 = arith.constant 0 : i32
        %dma_start3A_120 = tpu.memref_slice %arg8[%run_scoped3A_116, %dma_start3A_118, %dma_start3A_119] : memref<2x80x128xf32, #tpu.memory_space<vmem>> -> memref<1x80x128xf32, #tpu.memory_space<vmem>>
        %dma_start3A_121 = tpu.memref_squeeze %dma_start3A_120 : memref<1x80x128xf32, #tpu.memory_space<vmem>> -> memref<80x128xf32, #tpu.memory_space<vmem>>
        %dma_start3A_122 = arith.constant 0 : i32
        %dma_start3A_123 = tpu.memref_slice %arg9[%add3A_115, %dma_start3A_122] : memref<10240x128xf32, #tpu.memory_space<vmem_shared>> -> memref<80x128xf32, #tpu.memory_space<vmem_shared>>
        %dma_start3A_124 = arith.constant 0 : i32
        %dma_start3A_125 = tpu.memref_slice %arg9[%add3A_115, %dma_start3A_124] : memref<10240x128xf32, #tpu.memory_space<vmem_shared>> -> memref<80x128xf32, #tpu.memory_space<vmem_shared>>
        %dma_start3A_126 = arith.constant 0 : i32
        %dma_start3A_127 = arith.constant 0 : i32
        %dma_start3A_128 = tpu.memref_slice %arg8[%run_scoped3A_116, %dma_start3A_126, %dma_start3A_127] : memref<2x80x128xf32, #tpu.memory_space<vmem>> -> memref<1x80x128xf32, #tpu.memory_space<vmem>>
        %dma_start3A_129 = tpu.memref_squeeze %dma_start3A_128 : memref<1x80x128xf32, #tpu.memory_space<vmem>> -> memref<80x128xf32, #tpu.memory_space<vmem>>
        tpu.enqueue_dma source(%dma_start3A_129 : memref<80x128xf32, #tpu.memory_space<vmem>>) target(%dma_start3A_125 : memref<80x128xf32, #tpu.memory_space<vmem_shared>>) target_semaphore(%run_scoped3A_117 : memref<!tpu.dma_semaphore, #tpu.memory_space<semaphore_mem>>)
        %dma_wait3A_130 = arith.constant 0 : i32
        %dma_wait3A_131 = arith.constant 0 : i32
        %dma_wait3A_132 = tpu.memref_slice %arg8[%run_scoped3A_116, %dma_wait3A_130, %dma_wait3A_131] : memref<2x80x128xf32, #tpu.memory_space<vmem>> -> memref<1x80x128xf32, #tpu.memory_space<vmem>>
        %dma_wait3A_133 = tpu.memref_squeeze %dma_wait3A_132 : memref<1x80x128xf32, #tpu.memory_space<vmem>> -> memref<80x128xf32, #tpu.memory_space<vmem>>
        %dma_wait3A_134 = arith.constant 0 : i32
        %dma_wait3A_135 = tpu.memref_slice %arg9[%add3A_115, %dma_wait3A_134] : memref<10240x128xf32, #tpu.memory_space<vmem_shared>> -> memref<80x128xf32, #tpu.memory_space<vmem_shared>>
        %dma_wait3A_136 = arith.constant 0 : i32
        %dma_wait3A_137 = tpu.memref_slice %arg9[%add3A_115, %dma_wait3A_136] : memref<10240x128xf32, #tpu.memory_space<vmem_shared>> -> memref<80x128xf32, #tpu.memory_space<vmem_shared>>
        %dma_wait3A_138 = arith.constant 0 : i32
        %dma_wait3A_139 = arith.constant 0 : i32
        %dma_wait3A_140 = tpu.memref_slice %arg8[%run_scoped3A_116, %dma_wait3A_138, %dma_wait3A_139] : memref<2x80x128xf32, #tpu.memory_space<vmem>> -> memref<1x80x128xf32, #tpu.memory_space<vmem>>
        %dma_wait3A_141 = tpu.memref_squeeze %dma_wait3A_140 : memref<1x80x128xf32, #tpu.memory_space<vmem>> -> memref<80x128xf32, #tpu.memory_space<vmem>>
        tpu.wait_dma2 semaphore(%run_scoped3A_117 : memref<!tpu.dma_semaphore, #tpu.memory_space<semaphore_mem>>) src(%dma_wait3A_141 : memref<80x128xf32, #tpu.memory_space<vmem>>) dst(%dma_wait3A_137 : memref<80x128xf32, #tpu.memory_space<vmem_shared>>)
        tpu.yield
      }) : () -> ()
    }
    %scan3A_22 = arith.constant 8 : i32
    %dma_wait3A = tpu.memref_slice %arg3[%mul3A_2] : memref<320000xi32, #tpu.memory_space<hbm>> -> memref<10000xi32, #tpu.memory_space<hbm>>
    %dma_wait3A_23 = tpu.memref_slice %arg3[%mul3A_2] : memref<320000xi32, #tpu.memory_space<hbm>> -> memref<10000xi32, #tpu.memory_space<hbm>>
    tpu.wait_dma2 semaphore(%arg10 : memref<!tpu.dma_semaphore, #tpu.memory_space<semaphore_mem>>) src(%dma_wait3A_23 : memref<10000xi32, #tpu.memory_space<hbm>>) dst(%arg6 : memref<10000xi32, #tpu.memory_space<vmem>>)
    %dma_wait3A_24 = arith.constant 0 : i32
    %dma_wait3A_25 = arith.constant 0 : i32
    %dma_wait3A_26 = tpu.memref_slice %arg4[%add3A, %dma_wait3A_24, %dma_wait3A_25] : memref<32x125x80xi32, #tpu.memory_space<hbm>> -> memref<1x125x80xi32, #tpu.memory_space<hbm>>
    %dma_wait3A_27 = tpu.memref_squeeze %dma_wait3A_26 : memref<1x125x80xi32, #tpu.memory_space<hbm>> -> memref<125x80xi32, #tpu.memory_space<hbm>>
    %dma_wait3A_28 = arith.constant 0 : i32
    %dma_wait3A_29 = arith.constant 0 : i32
    %dma_wait3A_30 = tpu.memref_slice %arg4[%add3A, %dma_wait3A_28, %dma_wait3A_29] : memref<32x125x80xi32, #tpu.memory_space<hbm>> -> memref<1x125x80xi32, #tpu.memory_space<hbm>>
    %dma_wait3A_31 = tpu.memref_squeeze %dma_wait3A_30 : memref<1x125x80xi32, #tpu.memory_space<hbm>> -> memref<125x80xi32, #tpu.memory_space<hbm>>
    tpu.wait_dma2 semaphore(%arg11 : memref<!tpu.dma_semaphore, #tpu.memory_space<semaphore_mem>>) src(%dma_wait3A_31 : memref<125x80xi32, #tpu.memory_space<hbm>>) dst(%arg7 : memref<125x80xi32, #tpu.memory_space<vmem>>)
    %dma_start3A_32 = arith.constant 0 : i32
    %dma_start3A_33 = arith.constant 0 : i32
    %dma_start3A_34 = arith.constant 0 : i32
    %dma_start3A_35 = tpu.memref_slice %arg8[%dma_start3A_32, %dma_start3A_33, %dma_start3A_34] : memref<2x80x128xf32, #tpu.memory_space<vmem>> -> memref<1x80x128xf32, #tpu.memory_space<vmem>>
    %dma_start3A_36 = tpu.memref_squeeze %dma_start3A_35 : memref<1x80x128xf32, #tpu.memory_space<vmem>> -> memref<80x128xf32, #tpu.memory_space<vmem>>
    %dma_start3A_37 = arith.constant 0 : i32
    %dma_start3A_38 = tpu.memref_slice %arg6[%dma_start3A_37] : memref<10000xi32, #tpu.memory_space<vmem>> -> memref<80xi32, #tpu.memory_space<vmem>>
    %dma_start3A_39 = arith.constant 0 : i32
    %dma_start3A_40 = arith.constant 0 : i32
    %dma_start3A_41 = tpu.memref_slice %arg2[%dma_start3A_39, %dma_start3A_40] : memref<10000x128xf32, #tpu.memory_space<hbm>> -> memref<10000x128xf32, #tpu.memory_space<hbm>>
    tpu.enqueue_indirect_dma source(%dma_start3A_41 : memref<10000x128xf32, #tpu.memory_space<hbm>>) target(%dma_start3A_36 : memref<80x128xf32, #tpu.memory_space<vmem>>) offsets(%dma_start3A_38 : memref<80xi32, #tpu.memory_space<vmem>>) semaphore(%arg10 : memref<!tpu.dma_semaphore, #tpu.memory_space<semaphore_mem>>)
    %dma_start3A_42 = arith.constant 1 : i32
    %dma_start3A_43 = arith.constant 0 : i32
    %dma_start3A_44 = arith.constant 0 : i32
    %dma_start3A_45 = tpu.memref_slice %arg8[%dma_start3A_42, %dma_start3A_43, %dma_start3A_44] : memref<2x80x128xf32, #tpu.memory_space<vmem>> -> memref<1x80x128xf32, #tpu.memory_space<vmem>>
    %dma_start3A_46 = tpu.memref_squeeze %dma_start3A_45 : memref<1x80x128xf32, #tpu.memory_space<vmem>> -> memref<80x128xf32, #tpu.memory_space<vmem>>
    %dma_start3A_47 = arith.constant 80 : i32
    %dma_start3A_48 = tpu.memref_slice %arg6[%dma_start3A_47] : memref<10000xi32, #tpu.memory_space<vmem>> -> memref<80xi32, #tpu.memory_space<vmem>>
    %dma_start3A_49 = arith.constant 0 : i32
    %dma_start3A_50 = arith.constant 0 : i32
    %dma_start3A_51 = tpu.memref_slice %arg2[%dma_start3A_49, %dma_start3A_50] : memref<10000x128xf32, #tpu.memory_space<hbm>> -> memref<10000x128xf32, #tpu.memory_space<hbm>>
    tpu.enqueue_indirect_dma source(%dma_start3A_51 : memref<10000x128xf32, #tpu.memory_space<hbm>>) target(%dma_start3A_46 : memref<80x128xf32, #tpu.memory_space<vmem>>) offsets(%dma_start3A_48 : memref<80xi32, #tpu.memory_space<vmem>>) semaphore(%arg11 : memref<!tpu.dma_semaphore, #tpu.memory_space<semaphore_mem>>)
    %barrier3A = arith.constant 0 : index
    tpu.barrier barrier_id(%barrier3A)
    %scan3A_52 = arith.constant 0 : i32
    %scan3A_53 = arith.constant 0 : i32
    %scan3A_54 = arith.constant 61 : i32
    %scan3A_55 = arith.addi %scan3A_53, %scan3A_54 : i32
    %scan3A_56 = arith.constant 1 : i32
    scf.for %scan3A_110 = %scan3A_53 to %scan3A_55 step %scan3A_56  : i32 {
      %mul3A_111 = arith.constant 2 : i32
      %mul3A_112 = arith.muli %mul3A_111, %scan3A_110 : i32
      %mul3A_113 = arith.constant 80 : i32
      %mul3A_114 = arith.muli %mul3A_112, %mul3A_113 : i32
      %dma_wait3A_115 = arith.constant 0 : i32
      %dma_wait3A_116 = arith.constant 0 : i32
      %dma_wait3A_117 = arith.constant 0 : i32
      %dma_wait3A_118 = tpu.memref_slice %arg8[%dma_wait3A_115, %dma_wait3A_116, %dma_wait3A_117] : memref<2x80x128xf32, #tpu.memory_space<vmem>> -> memref<1x80x128xf32, #tpu.memory_space<vmem>>
      %dma_wait3A_119 = tpu.memref_squeeze %dma_wait3A_118 : memref<1x80x128xf32, #tpu.memory_space<vmem>> -> memref<80x128xf32, #tpu.memory_space<vmem>>
      %dma_wait3A_120 = tpu.memref_slice %arg6[%mul3A_114] : memref<10000xi32, #tpu.memory_space<vmem>> -> memref<80xi32, #tpu.memory_space<vmem>>
      %dma_wait3A_121 = arith.constant 0 : i32
      %dma_wait3A_122 = arith.constant 0 : i32
      %dma_wait3A_123 = tpu.memref_slice %arg2[%dma_wait3A_121, %dma_wait3A_122] : memref<10000x128xf32, #tpu.memory_space<hbm>> -> memref<10000x128xf32, #tpu.memory_space<hbm>>
      tpu.wait_indirect_dma semaphore(%arg10 : memref<!tpu.dma_semaphore, #tpu.memory_space<semaphore_mem>>) src(%dma_wait3A_123 : memref<10000x128xf32, #tpu.memory_space<hbm>>) dst(%dma_wait3A_119 : memref<80x128xf32, #tpu.memory_space<vmem>>)
      %run_scoped3A_124 = arith.constant 0 : i32
      "tpu.region"() ({
        %run_scoped3A_167 = tpu.sem_alloc : memref<!tpu.dma_semaphore, #tpu.memory_space<semaphore_mem>>
        %dma_start3A_168 = arith.constant 0 : i32
        %dma_start3A_169 = arith.constant 0 : i32
        %dma_start3A_170 = tpu.memref_slice %arg8[%run_scoped3A_124, %dma_start3A_168, %dma_start3A_169] : memref<2x80x128xf32, #tpu.memory_space<vmem>> -> memref<1x80x128xf32, #tpu.memory_space<vmem>>
        %dma_start3A_171 = tpu.memref_squeeze %dma_start3A_170 : memref<1x80x128xf32, #tpu.memory_space<vmem>> -> memref<80x128xf32, #tpu.memory_space<vmem>>
        %dma_start3A_172 = arith.constant 0 : i32
        %dma_start3A_173 = tpu.memref_slice %arg7[%mul3A_112, %dma_start3A_172] : memref<125x80xi32, #tpu.memory_space<vmem>> -> memref<1x80xi32, #tpu.memory_space<vmem>>
        %dma_start3A_174 = tpu.memref_squeeze %dma_start3A_173 : memref<1x80xi32, #tpu.memory_space<vmem>> -> memref<80xi32, #tpu.memory_space<vmem>>
        %dma_start3A_175 = arith.constant 0 : i32
        %dma_start3A_176 = arith.constant 0 : i32
        %dma_start3A_177 = tpu.memref_slice %arg9[%dma_start3A_175, %dma_start3A_176] : memref<10240x128xf32, #tpu.memory_space<vmem_shared>> -> memref<10240x128xf32, #tpu.memory_space<vmem_shared>>
        tpu.enqueue_indirect_dma source(%dma_start3A_171 : memref<80x128xf32, #tpu.memory_space<vmem>>) target(%dma_start3A_177 : memref<10240x128xf32, #tpu.memory_space<vmem_shared>>) offsets(%dma_start3A_174 : memref<80xi32, #tpu.memory_space<vmem>>) semaphore(%run_scoped3A_167 : memref<!tpu.dma_semaphore, #tpu.memory_space<semaphore_mem>>) {add = true}
        %dma_wait3A_178 = arith.constant 0 : i32
        %dma_wait3A_179 = arith.constant 0 : i32
        %dma_wait3A_180 = tpu.memref_slice %arg8[%run_scoped3A_124, %dma_wait3A_178, %dma_wait3A_179] : memref<2x80x128xf32, #tpu.memory_space<vmem>> -> memref<1x80x128xf32, #tpu.memory_space<vmem>>
        %dma_wait3A_181 = tpu.memref_squeeze %dma_wait3A_180 : memref<1x80x128xf32, #tpu.memory_space<vmem>> -> memref<80x128xf32, #tpu.memory_space<vmem>>
        %dma_wait3A_182 = arith.constant 0 : i32
        %dma_wait3A_183 = tpu.memref_slice %arg7[%mul3A_112, %dma_wait3A_182] : memref<125x80xi32, #tpu.memory_space<vmem>> -> memref<1x80xi32, #tpu.memory_space<vmem>>
        %dma_wait3A_184 = tpu.memref_squeeze %dma_wait3A_183 : memref<1x80xi32, #tpu.memory_space<vmem>> -> memref<80xi32, #tpu.memory_space<vmem>>
        %dma_wait3A_185 = arith.constant 0 : i32
        %dma_wait3A_186 = arith.constant 0 : i32
        %dma_wait3A_187 = tpu.memref_slice %arg9[%dma_wait3A_185, %dma_wait3A_186] : memref<10240x128xf32, #tpu.memory_space<vmem_shared>> -> memref<10240x128xf32, #tpu.memory_space<vmem_shared>>
        tpu.wait_indirect_dma semaphore(%run_scoped3A_167 : memref<!tpu.dma_semaphore, #tpu.memory_space<semaphore_mem>>) src(%dma_wait3A_181 : memref<80x128xf32, #tpu.memory_space<vmem>>) dst(%dma_wait3A_187 : memref<10240x128xf32, #tpu.memory_space<vmem_shared>>)
        tpu.yield
      }) : () -> ()
      %add3A_125 = arith.constant 2 : i32
      %add3A_126 = arith.addi %mul3A_112, %add3A_125 : i32
      %mul3A_127 = arith.constant 80 : i32
      %mul3A_128 = arith.muli %add3A_126, %mul3A_127 : i32
      %dma_start3A_129 = arith.constant 0 : i32
      %dma_start3A_130 = arith.constant 0 : i32
      %dma_start3A_131 = arith.constant 0 : i32
      %dma_start3A_132 = tpu.memref_slice %arg8[%dma_start3A_129, %dma_start3A_130, %dma_start3A_131] : memref<2x80x128xf32, #tpu.memory_space<vmem>> -> memref<1x80x128xf32, #tpu.memory_space<vmem>>
      %dma_start3A_133 = tpu.memref_squeeze %dma_start3A_132 : memref<1x80x128xf32, #tpu.memory_space<vmem>> -> memref<80x128xf32, #tpu.memory_space<vmem>>
      %dma_start3A_134 = tpu.memref_slice %arg6[%mul3A_128] : memref<10000xi32, #tpu.memory_space<vmem>> -> memref<80xi32, #tpu.memory_space<vmem>>
      %dma_start3A_135 = arith.constant 0 : i32
      %dma_start3A_136 = arith.constant 0 : i32
      %dma_start3A_137 = tpu.memref_slice %arg2[%dma_start3A_135, %dma_start3A_136] : memref<10000x128xf32, #tpu.memory_space<hbm>> -> memref<10000x128xf32, #tpu.memory_space<hbm>>
      tpu.enqueue_indirect_dma source(%dma_start3A_137 : memref<10000x128xf32, #tpu.memory_space<hbm>>) target(%dma_start3A_133 : memref<80x128xf32, #tpu.memory_space<vmem>>) offsets(%dma_start3A_134 : memref<80xi32, #tpu.memory_space<vmem>>) semaphore(%arg10 : memref<!tpu.dma_semaphore, #tpu.memory_space<semaphore_mem>>)
      %add3A_138 = arith.constant 1 : i32
      %add3A_139 = arith.addi %mul3A_112, %add3A_138 : i32
      %mul3A_140 = arith.constant 80 : i32
      %mul3A_141 = arith.muli %add3A_139, %mul3A_140 : i32
      %dma_wait3A_142 = arith.constant 1 : i32
      %dma_wait3A_143 = arith.constant 0 : i32
      %dma_wait3A_144 = arith.constant 0 : i32
      %dma_wait3A_145 = tpu.memref_slice %arg8[%dma_wait3A_142, %dma_wait3A_143, %dma_wait3A_144] : memref<2x80x128xf32, #tpu.memory_space<vmem>> -> memref<1x80x128xf32, #tpu.memory_space<vmem>>
      %dma_wait3A_146 = tpu.memref_squeeze %dma_wait3A_145 : memref<1x80x128xf32, #tpu.memory_space<vmem>> -> memref<80x128xf32, #tpu.memory_space<vmem>>
      %dma_wait3A_147 = tpu.memref_slice %arg6[%mul3A_141] : memref<10000xi32, #tpu.memory_space<vmem>> -> memref<80xi32, #tpu.memory_space<vmem>>
      %dma_wait3A_148 = arith.constant 0 : i32
      %dma_wait3A_149 = arith.constant 0 : i32
      %dma_wait3A_150 = tpu.memref_slice %arg2[%dma_wait3A_148, %dma_wait3A_149] : memref<10000x128xf32, #tpu.memory_space<hbm>> -> memref<10000x128xf32, #tpu.memory_space<hbm>>
      tpu.wait_indirect_dma semaphore(%arg11 : memref<!tpu.dma_semaphore, #tpu.memory_space<semaphore_mem>>) src(%dma_wait3A_150 : memref<10000x128xf32, #tpu.memory_space<hbm>>) dst(%dma_wait3A_146 : memref<80x128xf32, #tpu.memory_space<vmem>>)
      %add3A_151 = arith.constant 1 : i32
      %add3A_152 = arith.addi %mul3A_112, %add3A_151 : i32
      %run_scoped3A_153 = arith.constant 1 : i32
      "tpu.region"() ({
        %run_scoped3A_167 = tpu.sem_alloc : memref<!tpu.dma_semaphore, #tpu.memory_space<semaphore_mem>>
        %dma_start3A_168 = arith.constant 0 : i32
        %dma_start3A_169 = arith.constant 0 : i32
        %dma_start3A_170 = tpu.memref_slice %arg8[%run_scoped3A_153, %dma_start3A_168, %dma_start3A_169] : memref<2x80x128xf32, #tpu.memory_space<vmem>> -> memref<1x80x128xf32, #tpu.memory_space<vmem>>
        %dma_start3A_171 = tpu.memref_squeeze %dma_start3A_170 : memref<1x80x128xf32, #tpu.memory_space<vmem>> -> memref<80x128xf32, #tpu.memory_space<vmem>>
        %dma_start3A_172 = arith.constant 0 : i32
        %dma_start3A_173 = tpu.memref_slice %arg7[%add3A_152, %dma_start3A_172] : memref<125x80xi32, #tpu.memory_space<vmem>> -> memref<1x80xi32, #tpu.memory_space<vmem>>
        %dma_start3A_174 = tpu.memref_squeeze %dma_start3A_173 : memref<1x80xi32, #tpu.memory_space<vmem>> -> memref<80xi32, #tpu.memory_space<vmem>>
        %dma_start3A_175 = arith.constant 0 : i32
        %dma_start3A_176 = arith.constant 0 : i32
        %dma_start3A_177 = tpu.memref_slice %arg9[%dma_start3A_175, %dma_start3A_176] : memref<10240x128xf32, #tpu.memory_space<vmem_shared>> -> memref<10240x128xf32, #tpu.memory_space<vmem_shared>>
        tpu.enqueue_indirect_dma source(%dma_start3A_171 : memref<80x128xf32, #tpu.memory_space<vmem>>) target(%dma_start3A_177 : memref<10240x128xf32, #tpu.memory_space<vmem_shared>>) offsets(%dma_start3A_174 : memref<80xi32, #tpu.memory_space<vmem>>) semaphore(%run_scoped3A_167 : memref<!tpu.dma_semaphore, #tpu.memory_space<semaphore_mem>>) {add = true}
        %dma_wait3A_178 = arith.constant 0 : i32
        %dma_wait3A_179 = arith.constant 0 : i32
        %dma_wait3A_180 = tpu.memref_slice %arg8[%run_scoped3A_153, %dma_wait3A_178, %dma_wait3A_179] : memref<2x80x128xf32, #tpu.memory_space<vmem>> -> memref<1x80x128xf32, #tpu.memory_space<vmem>>
        %dma_wait3A_181 = tpu.memref_squeeze %dma_wait3A_180 : memref<1x80x128xf32, #tpu.memory_space<vmem>> -> memref<80x128xf32, #tpu.memory_space<vmem>>
        %dma_wait3A_182 = arith.constant 0 : i32
        %dma_wait3A_183 = tpu.memref_slice %arg7[%add3A_152, %dma_wait3A_182] : memref<125x80xi32, #tpu.memory_space<vmem>> -> memref<1x80xi32, #tpu.memory_space<vmem>>
        %dma_wait3A_184 = tpu.memref_squeeze %dma_wait3A_183 : memref<1x80xi32, #tpu.memory_space<vmem>> -> memref<80xi32, #tpu.memory_space<vmem>>
        %dma_wait3A_185 = arith.constant 0 : i32
        %dma_wait3A_186 = arith.constant 0 : i32
        %dma_wait3A_187 = tpu.memref_slice %arg9[%dma_wait3A_185, %dma_wait3A_186] : memref<10240x128xf32, #tpu.memory_space<vmem_shared>> -> memref<10240x128xf32, #tpu.memory_space<vmem_shared>>
        tpu.wait_indirect_dma semaphore(%run_scoped3A_167 : memref<!tpu.dma_semaphore, #tpu.memory_space<semaphore_mem>>) src(%dma_wait3A_181 : memref<80x128xf32, #tpu.memory_space<vmem>>) dst(%dma_wait3A_187 : memref<10240x128xf32, #tpu.memory_space<vmem_shared>>)
        tpu.yield
      }) : () -> ()
      %add3A_154 = arith.constant 3 : i32
      %add3A_155 = arith.addi %mul3A_112, %add3A_154 : i32
      %mul3A_156 = arith.constant 80 : i32
      %mul3A_157 = arith.muli %add3A_155, %mul3A_156 : i32
      %dma_start3A_158 = arith.constant 1 : i32
      %dma_start3A_159 = arith.constant 0 : i32
      %dma_start3A_160 = arith.constant 0 : i32
      %dma_start3A_161 = tpu.memref_slice %arg8[%dma_start3A_158, %dma_start3A_159, %dma_start3A_160] : memref<2x80x128xf32, #tpu.memory_space<vmem>> -> memref<1x80x128xf32, #tpu.memory_space<vmem>>
      %dma_start3A_162 = tpu.memref_squeeze %dma_start3A_161 : memref<1x80x128xf32, #tpu.memory_space<vmem>> -> memref<80x128xf32, #tpu.memory_space<vmem>>
      %dma_start3A_163 = tpu.memref_slice %arg6[%mul3A_157] : memref<10000xi32, #tpu.memory_space<vmem>> -> memref<80xi32, #tpu.memory_space<vmem>>
      %dma_start3A_164 = arith.constant 0 : i32
      %dma_start3A_165 = arith.constant 0 : i32
      %dma_start3A_166 = tpu.memref_slice %arg2[%dma_start3A_164, %dma_start3A_165] : memref<10000x128xf32, #tpu.memory_space<hbm>> -> memref<10000x128xf32, #tpu.memory_space<hbm>>
      tpu.enqueue_indirect_dma source(%dma_start3A_166 : memref<10000x128xf32, #tpu.memory_space<hbm>>) target(%dma_start3A_162 : memref<80x128xf32, #tpu.memory_space<vmem>>) offsets(%dma_start3A_163 : memref<80xi32, #tpu.memory_space<vmem>>) semaphore(%arg11 : memref<!tpu.dma_semaphore, #tpu.memory_space<semaphore_mem>>)
    }
    %scan3A_57 = arith.constant 61 : i32
    %dma_wait3A_58 = arith.constant 0 : i32
    %dma_wait3A_59 = arith.constant 0 : i32
    %dma_wait3A_60 = arith.constant 0 : i32
    %dma_wait3A_61 = tpu.memref_slice %arg8[%dma_wait3A_58, %dma_wait3A_59, %dma_wait3A_60] : memref<2x80x128xf32, #tpu.memory_space<vmem>> -> memref<1x80x128xf32, #tpu.memory_space<vmem>>
    %dma_wait3A_62 = tpu.memref_squeeze %dma_wait3A_61 : memref<1x80x128xf32, #tpu.memory_space<vmem>> -> memref<80x128xf32, #tpu.memory_space<vmem>>
    %dma_wait3A_63 = arith.constant 9760 : i32
    %dma_wait3A_64 = tpu.memref_slice %arg6[%dma_wait3A_63] : memref<10000xi32, #tpu.memory_space<vmem>> -> memref<80xi32, #tpu.memory_space<vmem>>
    %dma_wait3A_65 = arith.constant 0 : i32
    %dma_wait3A_66 = arith.constant 0 : i32
    %dma_wait3A_67 = tpu.memref_slice %arg2[%dma_wait3A_65, %dma_wait3A_66] : memref<10000x128xf32, #tpu.memory_space<hbm>> -> memref<10000x128xf32, #tpu.memory_space<hbm>>
    tpu.wait_indirect_dma semaphore(%arg10 : memref<!tpu.dma_semaphore, #tpu.memory_space<semaphore_mem>>) src(%dma_wait3A_67 : memref<10000x128xf32, #tpu.memory_space<hbm>>) dst(%dma_wait3A_62 : memref<80x128xf32, #tpu.memory_space<vmem>>)
    %run_scoped3A = arith.constant 0 : i32
    %run_scoped3A_68 = arith.constant 122 : i32
    "tpu.region"() ({
      %run_scoped3A_110 = tpu.sem_alloc : memref<!tpu.dma_semaphore, #tpu.memory_space<semaphore_mem>>
      %dma_start3A_111 = arith.constant 0 : i32
      %dma_start3A_112 = arith.constant 0 : i32
      %dma_start3A_113 = tpu.memref_slice %arg8[%run_scoped3A, %dma_start3A_111, %dma_start3A_112] : memref<2x80x128xf32, #tpu.memory_space<vmem>> -> memref<1x80x128xf32, #tpu.memory_space<vmem>>
      %dma_start3A_114 = tpu.memref_squeeze %dma_start3A_113 : memref<1x80x128xf32, #tpu.memory_space<vmem>> -> memref<80x128xf32, #tpu.memory_space<vmem>>
      %dma_start3A_115 = arith.constant 0 : i32
      %dma_start3A_116 = tpu.memref_slice %arg7[%run_scoped3A_68, %dma_start3A_115] : memref<125x80xi32, #tpu.memory_space<vmem>> -> memref<1x80xi32, #tpu.memory_space<vmem>>
      %dma_start3A_117 = tpu.memref_squeeze %dma_start3A_116 : memref<1x80xi32, #tpu.memory_space<vmem>> -> memref<80xi32, #tpu.memory_space<vmem>>
      %dma_start3A_118 = arith.constant 0 : i32
      %dma_start3A_119 = arith.constant 0 : i32
      %dma_start3A_120 = tpu.memref_slice %arg9[%dma_start3A_118, %dma_start3A_119] : memref<10240x128xf32, #tpu.memory_space<vmem_shared>> -> memref<10240x128xf32, #tpu.memory_space<vmem_shared>>
      tpu.enqueue_indirect_dma source(%dma_start3A_114 : memref<80x128xf32, #tpu.memory_space<vmem>>) target(%dma_start3A_120 : memref<10240x128xf32, #tpu.memory_space<vmem_shared>>) offsets(%dma_start3A_117 : memref<80xi32, #tpu.memory_space<vmem>>) semaphore(%run_scoped3A_110 : memref<!tpu.dma_semaphore, #tpu.memory_space<semaphore_mem>>) {add = true}
      %dma_wait3A_121 = arith.constant 0 : i32
      %dma_wait3A_122 = arith.constant 0 : i32
      %dma_wait3A_123 = tpu.memref_slice %arg8[%run_scoped3A, %dma_wait3A_121, %dma_wait3A_122] : memref<2x80x128xf32, #tpu.memory_space<vmem>> -> memref<1x80x128xf32, #tpu.memory_space<vmem>>
      %dma_wait3A_124 = tpu.memref_squeeze %dma_wait3A_123 : memref<1x80x128xf32, #tpu.memory_space<vmem>> -> memref<80x128xf32, #tpu.memory_space<vmem>>
      %dma_wait3A_125 = arith.constant 0 : i32
      %dma_wait3A_126 = tpu.memref_slice %arg7[%run_scoped3A_68, %dma_wait3A_125] : memref<125x80xi32, #tpu.memory_space<vmem>> -> memref<1x80xi32, #tpu.memory_space<vmem>>
      %dma_wait3A_127 = tpu.memref_squeeze %dma_wait3A_126 : memref<1x80xi32, #tpu.memory_space<vmem>> -> memref<80xi32, #tpu.memory_space<vmem>>
      %dma_wait3A_128 = arith.constant 0 : i32
      %dma_wait3A_129 = arith.constant 0 : i32
      %dma_wait3A_130 = tpu.memref_slice %arg9[%dma_wait3A_128, %dma_wait3A_129] : memref<10240x128xf32, #tpu.memory_space<vmem_shared>> -> memref<10240x128xf32, #tpu.memory_space<vmem_shared>>
      tpu.wait_indirect_dma semaphore(%run_scoped3A_110 : memref<!tpu.dma_semaphore, #tpu.memory_space<semaphore_mem>>) src(%dma_wait3A_124 : memref<80x128xf32, #tpu.memory_space<vmem>>) dst(%dma_wait3A_130 : memref<10240x128xf32, #tpu.memory_space<vmem_shared>>)
      tpu.yield
    }) : () -> ()
    %dma_start3A_69 = arith.constant 0 : i32
    %dma_start3A_70 = arith.constant 0 : i32
    %dma_start3A_71 = arith.constant 0 : i32
    %dma_start3A_72 = tpu.memref_slice %arg8[%dma_start3A_69, %dma_start3A_70, %dma_start3A_71] : memref<2x80x128xf32, #tpu.memory_space<vmem>> -> memref<1x80x128xf32, #tpu.memory_space<vmem>>
    %dma_start3A_73 = tpu.memref_squeeze %dma_start3A_72 : memref<1x80x128xf32, #tpu.memory_space<vmem>> -> memref<80x128xf32, #tpu.memory_space<vmem>>
    %dma_start3A_74 = arith.constant 9920 : i32
    %dma_start3A_75 = tpu.memref_slice %arg6[%dma_start3A_74] : memref<10000xi32, #tpu.memory_space<vmem>> -> memref<80xi32, #tpu.memory_space<vmem>>
    %dma_start3A_76 = arith.constant 0 : i32
    %dma_start3A_77 = arith.constant 0 : i32
    %dma_start3A_78 = tpu.memref_slice %arg2[%dma_start3A_76, %dma_start3A_77] : memref<10000x128xf32, #tpu.memory_space<hbm>> -> memref<10000x128xf32, #tpu.memory_space<hbm>>
    tpu.enqueue_indirect_dma source(%dma_start3A_78 : memref<10000x128xf32, #tpu.memory_space<hbm>>) target(%dma_start3A_73 : memref<80x128xf32, #tpu.memory_space<vmem>>) offsets(%dma_start3A_75 : memref<80xi32, #tpu.memory_space<vmem>>) semaphore(%arg10 : memref<!tpu.dma_semaphore, #tpu.memory_space<semaphore_mem>>)
    %dma_wait3A_79 = arith.constant 1 : i32
    %dma_wait3A_80 = arith.constant 0 : i32
    %dma_wait3A_81 = arith.constant 0 : i32
    %dma_wait3A_82 = tpu.memref_slice %arg8[%dma_wait3A_79, %dma_wait3A_80, %dma_wait3A_81] : memref<2x80x128xf32, #tpu.memory_space<vmem>> -> memref<1x80x128xf32, #tpu.memory_space<vmem>>
    %dma_wait3A_83 = tpu.memref_squeeze %dma_wait3A_82 : memref<1x80x128xf32, #tpu.memory_space<vmem>> -> memref<80x128xf32, #tpu.memory_space<vmem>>
    %dma_wait3A_84 = arith.constant 9840 : i32
    %dma_wait3A_85 = tpu.memref_slice %arg6[%dma_wait3A_84] : memref<10000xi32, #tpu.memory_space<vmem>> -> memref<80xi32, #tpu.memory_space<vmem>>
    %dma_wait3A_86 = arith.constant 0 : i32
    %dma_wait3A_87 = arith.constant 0 : i32
    %dma_wait3A_88 = tpu.memref_slice %arg2[%dma_wait3A_86, %dma_wait3A_87] : memref<10000x128xf32, #tpu.memory_space<hbm>> -> memref<10000x128xf32, #tpu.memory_space<hbm>>
    tpu.wait_indirect_dma semaphore(%arg11 : memref<!tpu.dma_semaphore, #tpu.memory_space<semaphore_mem>>) src(%dma_wait3A_88 : memref<10000x128xf32, #tpu.memory_space<hbm>>) dst(%dma_wait3A_83 : memref<80x128xf32, #tpu.memory_space<vmem>>)
    %run_scoped3A_89 = arith.constant 1 : i32
    %run_scoped3A_90 = arith.constant 123 : i32
    "tpu.region"() ({
      %run_scoped3A_110 = tpu.sem_alloc : memref<!tpu.dma_semaphore, #tpu.memory_space<semaphore_mem>>
      %dma_start3A_111 = arith.constant 0 : i32
      %dma_start3A_112 = arith.constant 0 : i32
      %dma_start3A_113 = tpu.memref_slice %arg8[%run_scoped3A_89, %dma_start3A_111, %dma_start3A_112] : memref<2x80x128xf32, #tpu.memory_space<vmem>> -> memref<1x80x128xf32, #tpu.memory_space<vmem>>
      %dma_start3A_114 = tpu.memref_squeeze %dma_start3A_113 : memref<1x80x128xf32, #tpu.memory_space<vmem>> -> memref<80x128xf32, #tpu.memory_space<vmem>>
      %dma_start3A_115 = arith.constant 0 : i32
      %dma_start3A_116 = tpu.memref_slice %arg7[%run_scoped3A_90, %dma_start3A_115] : memref<125x80xi32, #tpu.memory_space<vmem>> -> memref<1x80xi32, #tpu.memory_space<vmem>>
      %dma_start3A_117 = tpu.memref_squeeze %dma_start3A_116 : memref<1x80xi32, #tpu.memory_space<vmem>> -> memref<80xi32, #tpu.memory_space<vmem>>
      %dma_start3A_118 = arith.constant 0 : i32
      %dma_start3A_119 = arith.constant 0 : i32
      %dma_start3A_120 = tpu.memref_slice %arg9[%dma_start3A_118, %dma_start3A_119] : memref<10240x128xf32, #tpu.memory_space<vmem_shared>> -> memref<10240x128xf32, #tpu.memory_space<vmem_shared>>
      tpu.enqueue_indirect_dma source(%dma_start3A_114 : memref<80x128xf32, #tpu.memory_space<vmem>>) target(%dma_start3A_120 : memref<10240x128xf32, #tpu.memory_space<vmem_shared>>) offsets(%dma_start3A_117 : memref<80xi32, #tpu.memory_space<vmem>>) semaphore(%run_scoped3A_110 : memref<!tpu.dma_semaphore, #tpu.memory_space<semaphore_mem>>) {add = true}
      %dma_wait3A_121 = arith.constant 0 : i32
      %dma_wait3A_122 = arith.constant 0 : i32
      %dma_wait3A_123 = tpu.memref_slice %arg8[%run_scoped3A_89, %dma_wait3A_121, %dma_wait3A_122] : memref<2x80x128xf32, #tpu.memory_space<vmem>> -> memref<1x80x128xf32, #tpu.memory_space<vmem>>
      %dma_wait3A_124 = tpu.memref_squeeze %dma_wait3A_123 : memref<1x80x128xf32, #tpu.memory_space<vmem>> -> memref<80x128xf32, #tpu.memory_space<vmem>>
      %dma_wait3A_125 = arith.constant 0 : i32
      %dma_wait3A_126 = tpu.memref_slice %arg7[%run_scoped3A_90, %dma_wait3A_125] : memref<125x80xi32, #tpu.memory_space<vmem>> -> memref<1x80xi32, #tpu.memory_space<vmem>>
      %dma_wait3A_127 = tpu.memref_squeeze %dma_wait3A_126 : memref<1x80xi32, #tpu.memory_space<vmem>> -> memref<80xi32, #tpu.memory_space<vmem>>
      %dma_wait3A_128 = arith.constant 0 : i32
      %dma_wait3A_129 = arith.constant 0 : i32
      %dma_wait3A_130 = tpu.memref_slice %arg9[%dma_wait3A_128, %dma_wait3A_129] : memref<10240x128xf32, #tpu.memory_space<vmem_shared>> -> memref<10240x128xf32, #tpu.memory_space<vmem_shared>>
      tpu.wait_indirect_dma semaphore(%run_scoped3A_110 : memref<!tpu.dma_semaphore, #tpu.memory_space<semaphore_mem>>) src(%dma_wait3A_124 : memref<80x128xf32, #tpu.memory_space<vmem>>) dst(%dma_wait3A_130 : memref<10240x128xf32, #tpu.memory_space<vmem_shared>>)
      tpu.yield
    }) : () -> ()
    %dma_wait3A_91 = arith.constant 0 : i32
    %dma_wait3A_92 = arith.constant 0 : i32
    %dma_wait3A_93 = arith.constant 0 : i32
    %dma_wait3A_94 = tpu.memref_slice %arg8[%dma_wait3A_91, %dma_wait3A_92, %dma_wait3A_93] : memref<2x80x128xf32, #tpu.memory_space<vmem>> -> memref<1x80x128xf32, #tpu.memory_space<vmem>>
    %dma_wait3A_95 = tpu.memref_squeeze %dma_wait3A_94 : memref<1x80x128xf32, #tpu.memory_space<vmem>> -> memref<80x128xf32, #tpu.memory_space<vmem>>
    %dma_wait3A_96 = arith.constant 9920 : i32
    %dma_wait3A_97 = tpu.memref_slice %arg6[%dma_wait3A_96] : memref<10000xi32, #tpu.memory_space<vmem>> -> memref<80xi32, #tpu.memory_space<vmem>>
    %dma_wait3A_98 = arith.constant 0 : i32
    %dma_wait3A_99 = arith.constant 0 : i32
    %dma_wait3A_100 = tpu.memref_slice %arg2[%dma_wait3A_98, %dma_wait3A_99] : memref<10000x128xf32, #tpu.memory_space<hbm>> -> memref<10000x128xf32, #tpu.memory_space<hbm>>
    tpu.wait_indirect_dma semaphore(%arg10 : memref<!tpu.dma_semaphore, #tpu.memory_space<semaphore_mem>>) src(%dma_wait3A_100 : memref<10000x128xf32, #tpu.memory_space<hbm>>) dst(%dma_wait3A_95 : memref<80x128xf32, #tpu.memory_space<vmem>>)
    %run_scoped3A_101 = arith.constant 0 : i32
    %run_scoped3A_102 = arith.constant 124 : i32
    "tpu.region"() ({
      %run_scoped3A_110 = tpu.sem_alloc : memref<!tpu.dma_semaphore, #tpu.memory_space<semaphore_mem>>
      %dma_start3A_111 = arith.constant 0 : i32
      %dma_start3A_112 = arith.constant 0 : i32
      %dma_start3A_113 = tpu.memref_slice %arg8[%run_scoped3A_101, %dma_start3A_111, %dma_start3A_112] : memref<2x80x128xf32, #tpu.memory_space<vmem>> -> memref<1x80x128xf32, #tpu.memory_space<vmem>>
      %dma_start3A_114 = tpu.memref_squeeze %dma_start3A_113 : memref<1x80x128xf32, #tpu.memory_space<vmem>> -> memref<80x128xf32, #tpu.memory_space<vmem>>
      %dma_start3A_115 = arith.constant 0 : i32
      %dma_start3A_116 = tpu.memref_slice %arg7[%run_scoped3A_102, %dma_start3A_115] : memref<125x80xi32, #tpu.memory_space<vmem>> -> memref<1x80xi32, #tpu.memory_space<vmem>>
      %dma_start3A_117 = tpu.memref_squeeze %dma_start3A_116 : memref<1x80xi32, #tpu.memory_space<vmem>> -> memref<80xi32, #tpu.memory_space<vmem>>
      %dma_start3A_118 = arith.constant 0 : i32
      %dma_start3A_119 = arith.constant 0 : i32
      %dma_start3A_120 = tpu.memref_slice %arg9[%dma_start3A_118, %dma_start3A_119] : memref<10240x128xf32, #tpu.memory_space<vmem_shared>> -> memref<10240x128xf32, #tpu.memory_space<vmem_shared>>
      tpu.enqueue_indirect_dma source(%dma_start3A_114 : memref<80x128xf32, #tpu.memory_space<vmem>>) target(%dma_start3A_120 : memref<10240x128xf32, #tpu.memory_space<vmem_shared>>) offsets(%dma_start3A_117 : memref<80xi32, #tpu.memory_space<vmem>>) semaphore(%run_scoped3A_110 : memref<!tpu.dma_semaphore, #tpu.memory_space<semaphore_mem>>) {add = true}
      %dma_wait3A_121 = arith.constant 0 : i32
      %dma_wait3A_122 = arith.constant 0 : i32
      %dma_wait3A_123 = tpu.memref_slice %arg8[%run_scoped3A_101, %dma_wait3A_121, %dma_wait3A_122] : memref<2x80x128xf32, #tpu.memory_space<vmem>> -> memref<1x80x128xf32, #tpu.memory_space<vmem>>
      %dma_wait3A_124 = tpu.memref_squeeze %dma_wait3A_123 : memref<1x80x128xf32, #tpu.memory_space<vmem>> -> memref<80x128xf32, #tpu.memory_space<vmem>>
      %dma_wait3A_125 = arith.constant 0 : i32
      %dma_wait3A_126 = tpu.memref_slice %arg7[%run_scoped3A_102, %dma_wait3A_125] : memref<125x80xi32, #tpu.memory_space<vmem>> -> memref<1x80xi32, #tpu.memory_space<vmem>>
      %dma_wait3A_127 = tpu.memref_squeeze %dma_wait3A_126 : memref<1x80xi32, #tpu.memory_space<vmem>> -> memref<80xi32, #tpu.memory_space<vmem>>
      %dma_wait3A_128 = arith.constant 0 : i32
      %dma_wait3A_129 = arith.constant 0 : i32
      %dma_wait3A_130 = tpu.memref_slice %arg9[%dma_wait3A_128, %dma_wait3A_129] : memref<10240x128xf32, #tpu.memory_space<vmem_shared>> -> memref<10240x128xf32, #tpu.memory_space<vmem_shared>>
      tpu.wait_indirect_dma semaphore(%run_scoped3A_110 : memref<!tpu.dma_semaphore, #tpu.memory_space<semaphore_mem>>) src(%dma_wait3A_124 : memref<80x128xf32, #tpu.memory_space<vmem>>) dst(%dma_wait3A_130 : memref<10240x128xf32, #tpu.memory_space<vmem_shared>>)
      tpu.yield
    }) : () -> ()
    %barrier3A_103 = arith.constant 0 : index
    tpu.barrier barrier_id(%barrier3A_103)
    %scan3A_104 = arith.constant 0 : i32
    %scan3A_105 = arith.constant 0 : i32
    %scan3A_106 = arith.constant 8 : i32
    %scan3A_107 = arith.addi %scan3A_105, %scan3A_106 : i32
    %scan3A_108 = arith.constant 1 : i32
    scf.for %scan3A_110 = %scan3A_105 to %scan3A_107 step %scan3A_108  : i32 {
      %mul3A_111 = arith.constant 640 : i32
      %mul3A_112 = arith.muli %arg1, %mul3A_111 : i32
      %mul3A_113 = arith.constant 80 : i32
      %mul3A_114 = arith.muli %scan3A_110, %mul3A_113 : i32
      %add3A_115 = arith.addi %mul3A_112, %mul3A_114 : i32
      "tpu.region"() ({
        %run_scoped3A_116 = tpu.sem_alloc : memref<!tpu.dma_semaphore, #tpu.memory_space<semaphore_mem>>
        %dma_start3A_117 = arith.constant 0 : i32
        %dma_start3A_118 = tpu.memref_slice %arg5[%arg0, %add3A_115, %dma_start3A_117] : memref<2x10240x128xf32, #tpu.memory_space<hbm>> -> memref<1x80x128xf32, #tpu.memory_space<hbm>>
        %dma_start3A_119 = tpu.memref_squeeze %dma_start3A_118 : memref<1x80x128xf32, #tpu.memory_space<hbm>> -> memref<80x128xf32, #tpu.memory_space<hbm>>
        %dma_start3A_120 = arith.constant 0 : i32
        %dma_start3A_121 = tpu.memref_slice %arg9[%add3A_115, %dma_start3A_120] : memref<10240x128xf32, #tpu.memory_space<vmem_shared>> -> memref<80x128xf32, #tpu.memory_space<vmem_shared>>
        tpu.enqueue_dma source(%dma_start3A_121 : memref<80x128xf32, #tpu.memory_space<vmem_shared>>) target(%dma_start3A_119 : memref<80x128xf32, #tpu.memory_space<hbm>>) target_semaphore(%run_scoped3A_116 : memref<!tpu.dma_semaphore, #tpu.memory_space<semaphore_mem>>)
        %dma_wait3A_122 = arith.constant 0 : i32
        %dma_wait3A_123 = tpu.memref_slice %arg5[%arg0, %add3A_115, %dma_wait3A_122] : memref<2x10240x128xf32, #tpu.memory_space<hbm>> -> memref<1x80x128xf32, #tpu.memory_space<hbm>>
        %dma_wait3A_124 = tpu.memref_squeeze %dma_wait3A_123 : memref<1x80x128xf32, #tpu.memory_space<hbm>> -> memref<80x128xf32, #tpu.memory_space<hbm>>
        %dma_wait3A_125 = arith.constant 0 : i32
        %dma_wait3A_126 = tpu.memref_slice %arg9[%add3A_115, %dma_wait3A_125] : memref<10240x128xf32, #tpu.memory_space<vmem_shared>> -> memref<80x128xf32, #tpu.memory_space<vmem_shared>>
        tpu.wait_dma2 semaphore(%run_scoped3A_116 : memref<!tpu.dma_semaphore, #tpu.memory_space<semaphore_mem>>) src(%dma_wait3A_126 : memref<80x128xf32, #tpu.memory_space<vmem_shared>>) dst(%dma_wait3A_124 : memref<80x128xf32, #tpu.memory_space<hbm>>)
        tpu.yield
      }) : () -> ()
    }
    %scan3A_109 = arith.constant 8 : i32
    return
  }
}

#map = affine_map<(d0, d1) -> (0, 0)>
#map1 = affine_map<(d0, d1) -> (0)>
#map2 = affine_map<(d0, d1) -> (0, 0, 0)>
module attributes {stable_mosaic.version = 14 : i64} {
  func.func @seg(%arg0: i32, %arg1: i32, %arg2: memref<10000x128xf32, #tpu.memory_space<hbm>>, %arg3: memref<320000xi32, #tpu.memory_space<hbm>>, %arg4: memref<32x125x80xi32, #tpu.memory_space<hbm>>, %arg5: memref<2x10240x128xf32, #tpu.memory_space<hbm>>, %arg6: memref<10000xi32, #tpu.memory_space<vmem>>, %arg7: memref<125x80xi32, #tpu.memory_space<vmem>>, %arg8: memref<2x80x128xf32, #tpu.memory_space<vmem>>, %arg9: memref<10240x128xf32, #tpu.memory_space<vmem_shared>>, %arg10: memref<!tpu.dma_semaphore, #tpu.memory_space<semaphore_mem>>, %arg11: memref<!tpu.dma_semaphore, #tpu.memory_space<semaphore_mem>>) attributes {dimension_semantics = [#tpu.dimension_semantics<core_parallel>, #tpu.dimension_semantics<subcore_parallel>], iteration_bounds = array<i64: 2, 16>, scalar_prefetch = 0 : i64, scratch_operands = 6 : i64, tpu.core_type = #tpu.core_type<sc_vector_subcore>, window_params = [{transform_indices = #map}, {transform_indices = #map1}, {transform_indices = #map2}, {transform_indices = #map2}]} {
    %mul3A = arith.constant 2 : i32
    %mul3A_0 = arith.muli %arg1, %mul3A : i32
    %add3A = arith.addi %mul3A_0, %arg0 : i32
    %mul3A_1 = arith.constant 10000 : i32
    %mul3A_2 = arith.muli %add3A, %mul3A_1 : i32
    %dma_start3A = tpu.memref_slice %arg3[%mul3A_2] : memref<320000xi32, #tpu.memory_space<hbm>> -> memref<10000xi32, #tpu.memory_space<hbm>>
    %dma_start3A_3 = tpu.memref_slice %arg3[%mul3A_2] : memref<320000xi32, #tpu.memory_space<hbm>> -> memref<10000xi32, #tpu.memory_space<hbm>>
    tpu.enqueue_dma source(%dma_start3A_3 : memref<10000xi32, #tpu.memory_space<hbm>>) target(%arg6 : memref<10000xi32, #tpu.memory_space<vmem>>) target_semaphore(%arg10 : memref<!tpu.dma_semaphore, #tpu.memory_space<semaphore_mem>>)
    %dma_start3A_4 = arith.constant 0 : i32
    %dma_start3A_5 = arith.constant 0 : i32
    %dma_start3A_6 = tpu.memref_slice %arg4[%add3A, %dma_start3A_4, %dma_start3A_5] : memref<32x125x80xi32, #tpu.memory_space<hbm>> -> memref<1x125x80xi32, #tpu.memory_space<hbm>>
    %dma_start3A_7 = tpu.memref_squeeze %dma_start3A_6 : memref<1x125x80xi32, #tpu.memory_space<hbm>> -> memref<125x80xi32, #tpu.memory_space<hbm>>
    %dma_start3A_8 = arith.constant 0 : i32
    %dma_start3A_9 = arith.constant 0 : i32
    %dma_start3A_10 = tpu.memref_slice %arg4[%add3A, %dma_start3A_8, %dma_start3A_9] : memref<32x125x80xi32, #tpu.memory_space<hbm>> -> memref<1x125x80xi32, #tpu.memory_space<hbm>>
    %dma_start3A_11 = tpu.memref_squeeze %dma_start3A_10 : memref<1x125x80xi32, #tpu.memory_space<hbm>> -> memref<125x80xi32, #tpu.memory_space<hbm>>
    tpu.enqueue_dma source(%dma_start3A_11 : memref<125x80xi32, #tpu.memory_space<hbm>>) target(%arg7 : memref<125x80xi32, #tpu.memory_space<vmem>>) target_semaphore(%arg11 : memref<!tpu.dma_semaphore, #tpu.memory_space<semaphore_mem>>)
    %scan3A = arith.constant 0 : i32
    %scan3A_12 = arith.constant 0 : i32
    %scan3A_13 = arith.constant 80 : i32
    %scan3A_14 = arith.addi %scan3A_12, %scan3A_13 : i32
    %scan3A_15 = arith.constant 1 : i32
    scf.for %scan3A_110 = %scan3A_12 to %scan3A_14 step %scan3A_15  : i32 {
      %scan3A_111 = arith.constant 0 : i32
      %scan3A_112 = arith.constant 8 : i32
      %scan3A_113 = arith.addi %scan3A_111, %scan3A_112 : i32
      %scan3A_114 = arith.constant 1 : i32
      scf.for %scan3A_116 = %scan3A_111 to %scan3A_113 step %scan3A_114  : i32 {
        %broadcast_in_dim3A = arith.constant 0.000000e+00 : f32
        %broadcast_in_dim3A_117 = vector.broadcast %broadcast_in_dim3A : f32 to vector<16xf32>
        %mul3A_118 = arith.constant 16 : i32
        %mul3A_119 = arith.muli %scan3A_116, %mul3A_118 : i32
        %swap3A = arith.constant 1 : i32
        %swap3A_120 = arith.index_cast %swap3A : i32 to index
        %swap3A_121 = arith.index_cast %scan3A_110 : i32 to index
        %swap3A_122 = arith.index_cast %mul3A_119 : i32 to index
        %swap3A_123 = tpu.vector_load %arg8[%swap3A_120, %swap3A_121, %swap3A_122] {strides = array<i32>} : memref<2x80x128xf32, #tpu.memory_space<vmem>>, vector<1x1x16xf32>,
        %swap3A_124 = vector.shape_cast %swap3A_123 : vector<1x1x16xf32> to vector<16xf32>
        %swap3A_125 = vector.shape_cast %broadcast_in_dim3A_117 : vector<16xf32> to vector<1x1x16xf32>
        tpu.vector_store %arg8[%swap3A_120, %swap3A_121, %swap3A_122], %swap3A_125 {strides = array<i32>} : memref<2x80x128xf32, #tpu.memory_space<vmem>>, vector<1x1x16xf32>,
      }
      %scan3A_115 = arith.constant 8 : i32
    }
    %scan3A_16 = arith.constant 80 : i32
    %scan3A_17 = arith.constant 0 : i32
    %scan3A_18 = arith.constant 0 : i32
    %scan3A_19 = arith.constant 8 : i32
    %scan3A_20 = arith.addi %scan3A_18, %scan3A_19 : i32
    %scan3A_21 = arith.constant 1 : i32
    scf.for %scan3A_110 = %scan3A_18 to %scan3A_20 step %scan3A_21  : i32 {
      %mul3A_111 = arith.constant 640 : i32
      %mul3A_112 = arith.muli %arg1, %mul3A_111 : i32
      %mul3A_113 = arith.constant 80 : i32
      %mul3A_114 = arith.muli %scan3A_110, %mul3A_113 : i32
      %add3A_115 = arith.addi %mul3A_112, %mul3A_114 : i32
      %run_scoped3A_116 = arith.constant 1 : i32
      "tpu.region"() ({
        %run_scoped3A_117 = tpu.sem_alloc : memref<!tpu.dma_semaphore, #tpu.memory_space<semaphore_mem>>
        %dma_start3A_118 = arith.constant 0 : i32
        %dma_start3A_119 = arith.constant 0 : i32
        %dma_start3A_120 = tpu.memref_slice %arg8[%run_scoped3A_116, %dma_start3A_118, %dma_start3A_119] : memref<2x80x128xf32, #tpu.memory_space<vmem>> -> memref<1x80x128xf32, #tpu.memory_space<vmem>>
        %dma_start3A_121 = tpu.memref_squeeze %dma_start3A_120 : memref<1x80x128xf32, #tpu.memory_space<vmem>> -> memref<80x128xf32, #tpu.memory_space<vmem>>
        %dma_start3A_122 = arith.constant 0 : i32
        %dma_start3A_123 = tpu.memref_slice %arg9[%add3A_115, %dma_start3A_122] : memref<10240x128xf32, #tpu.memory_space<vmem_shared>> -> memref<80x128xf32, #tpu.memory_space<vmem_shared>>
        %dma_start3A_124 = arith.constant 0 : i32
        %dma_start3A_125 = tpu.memref_slice %arg9[%add3A_115, %dma_start3A_124] : memref<10240x128xf32, #tpu.memory_space<vmem_shared>> -> memref<80x128xf32, #tpu.memory_space<vmem_shared>>
        %dma_start3A_126 = arith.constant 0 : i32
        %dma_start3A_127 = arith.constant 0 : i32
        %dma_start3A_128 = tpu.memref_slice %arg8[%run_scoped3A_116, %dma_start3A_126, %dma_start3A_127] : memref<2x80x128xf32, #tpu.memory_space<vmem>> -> memref<1x80x128xf32, #tpu.memory_space<vmem>>
        %dma_start3A_129 = tpu.memref_squeeze %dma_start3A_128 : memref<1x80x128xf32, #tpu.memory_space<vmem>> -> memref<80x128xf32, #tpu.memory_space<vmem>>
        tpu.enqueue_dma source(%dma_start3A_129 : memref<80x128xf32, #tpu.memory_space<vmem>>) target(%dma_start3A_125 : memref<80x128xf32, #tpu.memory_space<vmem_shared>>) target_semaphore(%run_scoped3A_117 : memref<!tpu.dma_semaphore, #tpu.memory_space<semaphore_mem>>)
        %dma_wait3A_130 = arith.constant 0 : i32
        %dma_wait3A_131 = arith.constant 0 : i32
        %dma_wait3A_132 = tpu.memref_slice %arg8[%run_scoped3A_116, %dma_wait3A_130, %dma_wait3A_131] : memref<2x80x128xf32, #tpu.memory_space<vmem>> -> memref<1x80x128xf32, #tpu.memory_space<vmem>>
        %dma_wait3A_133 = tpu.memref_squeeze %dma_wait3A_132 : memref<1x80x128xf32, #tpu.memory_space<vmem>> -> memref<80x128xf32, #tpu.memory_space<vmem>>
        %dma_wait3A_134 = arith.constant 0 : i32
        %dma_wait3A_135 = tpu.memref_slice %arg9[%add3A_115, %dma_wait3A_134] : memref<10240x128xf32, #tpu.memory_space<vmem_shared>> -> memref<80x128xf32, #tpu.memory_space<vmem_shared>>
        %dma_wait3A_136 = arith.constant 0 : i32
        %dma_wait3A_137 = tpu.memref_slice %arg9[%add3A_115, %dma_wait3A_136] : memref<10240x128xf32, #tpu.memory_space<vmem_shared>> -> memref<80x128xf32, #tpu.memory_space<vmem_shared>>
        %dma_wait3A_138 = arith.constant 0 : i32
        %dma_wait3A_139 = arith.constant 0 : i32
        %dma_wait3A_140 = tpu.memref_slice %arg8[%run_scoped3A_116, %dma_wait3A_138, %dma_wait3A_139] : memref<2x80x128xf32, #tpu.memory_space<vmem>> -> memref<1x80x128xf32, #tpu.memory_space<vmem>>
        %dma_wait3A_141 = tpu.memref_squeeze %dma_wait3A_140 : memref<1x80x128xf32, #tpu.memory_space<vmem>> -> memref<80x128xf32, #tpu.memory_space<vmem>>
        tpu.wait_dma2 semaphore(%run_scoped3A_117 : memref<!tpu.dma_semaphore, #tpu.memory_space<semaphore_mem>>) src(%dma_wait3A_141 : memref<80x128xf32, #tpu.memory_space<vmem>>) dst(%dma_wait3A_137 : memref<80x128xf32, #tpu.memory_space<vmem_shared>>)
        tpu.yield
      }) : () -> ()
    }
    %scan3A_22 = arith.constant 8 : i32
    %dma_wait3A = tpu.memref_slice %arg3[%mul3A_2] : memref<320000xi32, #tpu.memory_space<hbm>> -> memref<10000xi32, #tpu.memory_space<hbm>>
    %dma_wait3A_23 = tpu.memref_slice %arg3[%mul3A_2] : memref<320000xi32, #tpu.memory_space<hbm>> -> memref<10000xi32, #tpu.memory_space<hbm>>
    tpu.wait_dma2 semaphore(%arg10 : memref<!tpu.dma_semaphore, #tpu.memory_space<semaphore_mem>>) src(%dma_wait3A_23 : memref<10000xi32, #tpu.memory_space<hbm>>) dst(%arg6 : memref<10000xi32, #tpu.memory_space<vmem>>)
    %dma_wait3A_24 = arith.constant 0 : i32
    %dma_wait3A_25 = arith.constant 0 : i32
    %dma_wait3A_26 = tpu.memref_slice %arg4[%add3A, %dma_wait3A_24, %dma_wait3A_25] : memref<32x125x80xi32, #tpu.memory_space<hbm>> -> memref<1x125x80xi32, #tpu.memory_space<hbm>>
    %dma_wait3A_27 = tpu.memref_squeeze %dma_wait3A_26 : memref<1x125x80xi32, #tpu.memory_space<hbm>> -> memref<125x80xi32, #tpu.memory_space<hbm>>
    %dma_wait3A_28 = arith.constant 0 : i32
    %dma_wait3A_29 = arith.constant 0 : i32
    %dma_wait3A_30 = tpu.memref_slice %arg4[%add3A, %dma_wait3A_28, %dma_wait3A_29] : memref<32x125x80xi32, #tpu.memory_space<hbm>> -> memref<1x125x80xi32, #tpu.memory_space<hbm>>
    %dma_wait3A_31 = tpu.memref_squeeze %dma_wait3A_30 : memref<1x125x80xi32, #tpu.memory_space<hbm>> -> memref<125x80xi32, #tpu.memory_space<hbm>>
    tpu.wait_dma2 semaphore(%arg11 : memref<!tpu.dma_semaphore, #tpu.memory_space<semaphore_mem>>) src(%dma_wait3A_31 : memref<125x80xi32, #tpu.memory_space<hbm>>) dst(%arg7 : memref<125x80xi32, #tpu.memory_space<vmem>>)
    %dma_start3A_32 = arith.constant 0 : i32
    %dma_start3A_33 = arith.constant 0 : i32
    %dma_start3A_34 = arith.constant 0 : i32
    %dma_start3A_35 = tpu.memref_slice %arg8[%dma_start3A_32, %dma_start3A_33, %dma_start3A_34] : memref<2x80x128xf32, #tpu.memory_space<vmem>> -> memref<1x80x128xf32, #tpu.memory_space<vmem>>
    %dma_start3A_36 = tpu.memref_squeeze %dma_start3A_35 : memref<1x80x128xf32, #tpu.memory_space<vmem>> -> memref<80x128xf32, #tpu.memory_space<vmem>>
    %dma_start3A_37 = arith.constant 0 : i32
    %dma_start3A_38 = tpu.memref_slice %arg6[%dma_start3A_37] : memref<10000xi32, #tpu.memory_space<vmem>> -> memref<80xi32, #tpu.memory_space<vmem>>
    %dma_start3A_39 = arith.constant 0 : i32
    %dma_start3A_40 = arith.constant 0 : i32
    %dma_start3A_41 = tpu.memref_slice %arg2[%dma_start3A_39, %dma_start3A_40] : memref<10000x128xf32, #tpu.memory_space<hbm>> -> memref<10000x128xf32, #tpu.memory_space<hbm>>
    tpu.enqueue_indirect_dma source(%dma_start3A_41 : memref<10000x128xf32, #tpu.memory_space<hbm>>) target(%dma_start3A_36 : memref<80x128xf32, #tpu.memory_space<vmem>>) offsets(%dma_start3A_38 : memref<80xi32, #tpu.memory_space<vmem>>) semaphore(%arg10 : memref<!tpu.dma_semaphore, #tpu.memory_space<semaphore_mem>>)
    %dma_start3A_42 = arith.constant 1 : i32
    %dma_start3A_43 = arith.constant 0 : i32
    %dma_start3A_44 = arith.constant 0 : i32
    %dma_start3A_45 = tpu.memref_slice %arg8[%dma_start3A_42, %dma_start3A_43, %dma_start3A_44] : memref<2x80x128xf32, #tpu.memory_space<vmem>> -> memref<1x80x128xf32, #tpu.memory_space<vmem>>
    %dma_start3A_46 = tpu.memref_squeeze %dma_start3A_45 : memref<1x80x128xf32, #tpu.memory_space<vmem>> -> memref<80x128xf32, #tpu.memory_space<vmem>>
    %dma_start3A_47 = arith.constant 80 : i32
    %dma_start3A_48 = tpu.memref_slice %arg6[%dma_start3A_47] : memref<10000xi32, #tpu.memory_space<vmem>> -> memref<80xi32, #tpu.memory_space<vmem>>
    %dma_start3A_49 = arith.constant 0 : i32
    %dma_start3A_50 = arith.constant 0 : i32
    %dma_start3A_51 = tpu.memref_slice %arg2[%dma_start3A_49, %dma_start3A_50] : memref<10000x128xf32, #tpu.memory_space<hbm>> -> memref<10000x128xf32, #tpu.memory_space<hbm>>
    tpu.enqueue_indirect_dma source(%dma_start3A_51 : memref<10000x128xf32, #tpu.memory_space<hbm>>) target(%dma_start3A_46 : memref<80x128xf32, #tpu.memory_space<vmem>>) offsets(%dma_start3A_48 : memref<80xi32, #tpu.memory_space<vmem>>) semaphore(%arg11 : memref<!tpu.dma_semaphore, #tpu.memory_space<semaphore_mem>>)
    %barrier3A = arith.constant 0 : index
    tpu.barrier barrier_id(%barrier3A)
    %scan3A_52 = arith.constant 0 : i32
    %scan3A_53 = arith.constant 0 : i32
    %scan3A_54 = arith.constant 61 : i32
    %scan3A_55 = arith.addi %scan3A_53, %scan3A_54 : i32
    %scan3A_56 = arith.constant 1 : i32
    scf.for %scan3A_110 = %scan3A_53 to %scan3A_55 step %scan3A_56  : i32 {
      %mul3A_111 = arith.constant 2 : i32
      %mul3A_112 = arith.muli %mul3A_111, %scan3A_110 : i32
      %mul3A_113 = arith.constant 80 : i32
      %mul3A_114 = arith.muli %mul3A_112, %mul3A_113 : i32
      %dma_wait3A_115 = arith.constant 0 : i32
      %dma_wait3A_116 = arith.constant 0 : i32
      %dma_wait3A_117 = arith.constant 0 : i32
      %dma_wait3A_118 = tpu.memref_slice %arg8[%dma_wait3A_115, %dma_wait3A_116, %dma_wait3A_117] : memref<2x80x128xf32, #tpu.memory_space<vmem>> -> memref<1x80x128xf32, #tpu.memory_space<vmem>>
      %dma_wait3A_119 = tpu.memref_squeeze %dma_wait3A_118 : memref<1x80x128xf32, #tpu.memory_space<vmem>> -> memref<80x128xf32, #tpu.memory_space<vmem>>
      %dma_wait3A_120 = tpu.memref_slice %arg6[%mul3A_114] : memref<10000xi32, #tpu.memory_space<vmem>> -> memref<80xi32, #tpu.memory_space<vmem>>
      %dma_wait3A_121 = arith.constant 0 : i32
      %dma_wait3A_122 = arith.constant 0 : i32
      %dma_wait3A_123 = tpu.memref_slice %arg2[%dma_wait3A_121, %dma_wait3A_122] : memref<10000x128xf32, #tpu.memory_space<hbm>> -> memref<10000x128xf32, #tpu.memory_space<hbm>>
      tpu.wait_indirect_dma semaphore(%arg10 : memref<!tpu.dma_semaphore, #tpu.memory_space<semaphore_mem>>) src(%dma_wait3A_123 : memref<10000x128xf32, #tpu.memory_space<hbm>>) dst(%dma_wait3A_119 : memref<80x128xf32, #tpu.memory_space<vmem>>)
      %run_scoped3A_124 = arith.constant 0 : i32
      "tpu.region"() ({
        %run_scoped3A_167 = tpu.sem_alloc : memref<!tpu.dma_semaphore, #tpu.memory_space<semaphore_mem>>
        %dma_start3A_168 = arith.constant 0 : i32
        %dma_start3A_169 = arith.constant 0 : i32
        %dma_start3A_170 = tpu.memref_slice %arg8[%run_scoped3A_124, %dma_start3A_168, %dma_start3A_169] : memref<2x80x128xf32, #tpu.memory_space<vmem>> -> memref<1x80x128xf32, #tpu.memory_space<vmem>>
        %dma_start3A_171 = tpu.memref_squeeze %dma_start3A_170 : memref<1x80x128xf32, #tpu.memory_space<vmem>> -> memref<80x128xf32, #tpu.memory_space<vmem>>
        %dma_start3A_172 = arith.constant 0 : i32
        %dma_start3A_173 = tpu.memref_slice %arg7[%mul3A_112, %dma_start3A_172] : memref<125x80xi32, #tpu.memory_space<vmem>> -> memref<1x80xi32, #tpu.memory_space<vmem>>
        %dma_start3A_174 = tpu.memref_squeeze %dma_start3A_173 : memref<1x80xi32, #tpu.memory_space<vmem>> -> memref<80xi32, #tpu.memory_space<vmem>>
        %dma_start3A_175 = arith.constant 0 : i32
        %dma_start3A_176 = arith.constant 0 : i32
        %dma_start3A_177 = tpu.memref_slice %arg9[%dma_start3A_175, %dma_start3A_176] : memref<10240x128xf32, #tpu.memory_space<vmem_shared>> -> memref<10240x128xf32, #tpu.memory_space<vmem_shared>>
        tpu.enqueue_indirect_dma source(%dma_start3A_171 : memref<80x128xf32, #tpu.memory_space<vmem>>) target(%dma_start3A_177 : memref<10240x128xf32, #tpu.memory_space<vmem_shared>>) offsets(%dma_start3A_174 : memref<80xi32, #tpu.memory_space<vmem>>) semaphore(%run_scoped3A_167 : memref<!tpu.dma_semaphore, #tpu.memory_space<semaphore_mem>>) {add = true}
        %dma_wait3A_178 = arith.constant 0 : i32
        %dma_wait3A_179 = arith.constant 0 : i32
        %dma_wait3A_180 = tpu.memref_slice %arg8[%run_scoped3A_124, %dma_wait3A_178, %dma_wait3A_179] : memref<2x80x128xf32, #tpu.memory_space<vmem>> -> memref<1x80x128xf32, #tpu.memory_space<vmem>>
        %dma_wait3A_181 = tpu.memref_squeeze %dma_wait3A_180 : memref<1x80x128xf32, #tpu.memory_space<vmem>> -> memref<80x128xf32, #tpu.memory_space<vmem>>
        %dma_wait3A_182 = arith.constant 0 : i32
        %dma_wait3A_183 = tpu.memref_slice %arg7[%mul3A_112, %dma_wait3A_182] : memref<125x80xi32, #tpu.memory_space<vmem>> -> memref<1x80xi32, #tpu.memory_space<vmem>>
        %dma_wait3A_184 = tpu.memref_squeeze %dma_wait3A_183 : memref<1x80xi32, #tpu.memory_space<vmem>> -> memref<80xi32, #tpu.memory_space<vmem>>
        %dma_wait3A_185 = arith.constant 0 : i32
        %dma_wait3A_186 = arith.constant 0 : i32
        %dma_wait3A_187 = tpu.memref_slice %arg9[%dma_wait3A_185, %dma_wait3A_186] : memref<10240x128xf32, #tpu.memory_space<vmem_shared>> -> memref<10240x128xf32, #tpu.memory_space<vmem_shared>>
        tpu.wait_indirect_dma semaphore(%run_scoped3A_167 : memref<!tpu.dma_semaphore, #tpu.memory_space<semaphore_mem>>) src(%dma_wait3A_181 : memref<80x128xf32, #tpu.memory_space<vmem>>) dst(%dma_wait3A_187 : memref<10240x128xf32, #tpu.memory_space<vmem_shared>>)
        tpu.yield
      }) : () -> ()
      %add3A_125 = arith.constant 2 : i32
      %add3A_126 = arith.addi %mul3A_112, %add3A_125 : i32
      %mul3A_127 = arith.constant 80 : i32
      %mul3A_128 = arith.muli %add3A_126, %mul3A_127 : i32
      %dma_start3A_129 = arith.constant 0 : i32
      %dma_start3A_130 = arith.constant 0 : i32
      %dma_start3A_131 = arith.constant 0 : i32
      %dma_start3A_132 = tpu.memref_slice %arg8[%dma_start3A_129, %dma_start3A_130, %dma_start3A_131] : memref<2x80x128xf32, #tpu.memory_space<vmem>> -> memref<1x80x128xf32, #tpu.memory_space<vmem>>
      %dma_start3A_133 = tpu.memref_squeeze %dma_start3A_132 : memref<1x80x128xf32, #tpu.memory_space<vmem>> -> memref<80x128xf32, #tpu.memory_space<vmem>>
      %dma_start3A_134 = tpu.memref_slice %arg6[%mul3A_128] : memref<10000xi32, #tpu.memory_space<vmem>> -> memref<80xi32, #tpu.memory_space<vmem>>
      %dma_start3A_135 = arith.constant 0 : i32
      %dma_start3A_136 = arith.constant 0 : i32
      %dma_start3A_137 = tpu.memref_slice %arg2[%dma_start3A_135, %dma_start3A_136] : memref<10000x128xf32, #tpu.memory_space<hbm>> -> memref<10000x128xf32, #tpu.memory_space<hbm>>
      tpu.enqueue_indirect_dma source(%dma_start3A_137 : memref<10000x128xf32, #tpu.memory_space<hbm>>) target(%dma_start3A_133 : memref<80x128xf32, #tpu.memory_space<vmem>>) offsets(%dma_start3A_134 : memref<80xi32, #tpu.memory_space<vmem>>) semaphore(%arg10 : memref<!tpu.dma_semaphore, #tpu.memory_space<semaphore_mem>>)
      %add3A_138 = arith.constant 1 : i32
      %add3A_139 = arith.addi %mul3A_112, %add3A_138 : i32
      %mul3A_140 = arith.constant 80 : i32
      %mul3A_141 = arith.muli %add3A_139, %mul3A_140 : i32
      %dma_wait3A_142 = arith.constant 1 : i32
      %dma_wait3A_143 = arith.constant 0 : i32
      %dma_wait3A_144 = arith.constant 0 : i32
      %dma_wait3A_145 = tpu.memref_slice %arg8[%dma_wait3A_142, %dma_wait3A_143, %dma_wait3A_144] : memref<2x80x128xf32, #tpu.memory_space<vmem>> -> memref<1x80x128xf32, #tpu.memory_space<vmem>>
      %dma_wait3A_146 = tpu.memref_squeeze %dma_wait3A_145 : memref<1x80x128xf32, #tpu.memory_space<vmem>> -> memref<80x128xf32, #tpu.memory_space<vmem>>
      %dma_wait3A_147 = tpu.memref_slice %arg6[%mul3A_141] : memref<10000xi32, #tpu.memory_space<vmem>> -> memref<80xi32, #tpu.memory_space<vmem>>
      %dma_wait3A_148 = arith.constant 0 : i32
      %dma_wait3A_149 = arith.constant 0 : i32
      %dma_wait3A_150 = tpu.memref_slice %arg2[%dma_wait3A_148, %dma_wait3A_149] : memref<10000x128xf32, #tpu.memory_space<hbm>> -> memref<10000x128xf32, #tpu.memory_space<hbm>>
      tpu.wait_indirect_dma semaphore(%arg11 : memref<!tpu.dma_semaphore, #tpu.memory_space<semaphore_mem>>) src(%dma_wait3A_150 : memref<10000x128xf32, #tpu.memory_space<hbm>>) dst(%dma_wait3A_146 : memref<80x128xf32, #tpu.memory_space<vmem>>)
      %add3A_151 = arith.constant 1 : i32
      %add3A_152 = arith.addi %mul3A_112, %add3A_151 : i32
      %run_scoped3A_153 = arith.constant 1 : i32
      "tpu.region"() ({
        %run_scoped3A_167 = tpu.sem_alloc : memref<!tpu.dma_semaphore, #tpu.memory_space<semaphore_mem>>
        %dma_start3A_168 = arith.constant 0 : i32
        %dma_start3A_169 = arith.constant 0 : i32
        %dma_start3A_170 = tpu.memref_slice %arg8[%run_scoped3A_153, %dma_start3A_168, %dma_start3A_169] : memref<2x80x128xf32, #tpu.memory_space<vmem>> -> memref<1x80x128xf32, #tpu.memory_space<vmem>>
        %dma_start3A_171 = tpu.memref_squeeze %dma_start3A_170 : memref<1x80x128xf32, #tpu.memory_space<vmem>> -> memref<80x128xf32, #tpu.memory_space<vmem>>
        %dma_start3A_172 = arith.constant 0 : i32
        %dma_start3A_173 = tpu.memref_slice %arg7[%add3A_152, %dma_start3A_172] : memref<125x80xi32, #tpu.memory_space<vmem>> -> memref<1x80xi32, #tpu.memory_space<vmem>>
        %dma_start3A_174 = tpu.memref_squeeze %dma_start3A_173 : memref<1x80xi32, #tpu.memory_space<vmem>> -> memref<80xi32, #tpu.memory_space<vmem>>
        %dma_start3A_175 = arith.constant 0 : i32
        %dma_start3A_176 = arith.constant 0 : i32
        %dma_start3A_177 = tpu.memref_slice %arg9[%dma_start3A_175, %dma_start3A_176] : memref<10240x128xf32, #tpu.memory_space<vmem_shared>> -> memref<10240x128xf32, #tpu.memory_space<vmem_shared>>
        tpu.enqueue_indirect_dma source(%dma_start3A_171 : memref<80x128xf32, #tpu.memory_space<vmem>>) target(%dma_start3A_177 : memref<10240x128xf32, #tpu.memory_space<vmem_shared>>) offsets(%dma_start3A_174 : memref<80xi32, #tpu.memory_space<vmem>>) semaphore(%run_scoped3A_167 : memref<!tpu.dma_semaphore, #tpu.memory_space<semaphore_mem>>) {add = true}
        %dma_wait3A_178 = arith.constant 0 : i32
        %dma_wait3A_179 = arith.constant 0 : i32
        %dma_wait3A_180 = tpu.memref_slice %arg8[%run_scoped3A_153, %dma_wait3A_178, %dma_wait3A_179] : memref<2x80x128xf32, #tpu.memory_space<vmem>> -> memref<1x80x128xf32, #tpu.memory_space<vmem>>
        %dma_wait3A_181 = tpu.memref_squeeze %dma_wait3A_180 : memref<1x80x128xf32, #tpu.memory_space<vmem>> -> memref<80x128xf32, #tpu.memory_space<vmem>>
        %dma_wait3A_182 = arith.constant 0 : i32
        %dma_wait3A_183 = tpu.memref_slice %arg7[%add3A_152, %dma_wait3A_182] : memref<125x80xi32, #tpu.memory_space<vmem>> -> memref<1x80xi32, #tpu.memory_space<vmem>>
        %dma_wait3A_184 = tpu.memref_squeeze %dma_wait3A_183 : memref<1x80xi32, #tpu.memory_space<vmem>> -> memref<80xi32, #tpu.memory_space<vmem>>
        %dma_wait3A_185 = arith.constant 0 : i32
        %dma_wait3A_186 = arith.constant 0 : i32
        %dma_wait3A_187 = tpu.memref_slice %arg9[%dma_wait3A_185, %dma_wait3A_186] : memref<10240x128xf32, #tpu.memory_space<vmem_shared>> -> memref<10240x128xf32, #tpu.memory_space<vmem_shared>>
        tpu.wait_indirect_dma semaphore(%run_scoped3A_167 : memref<!tpu.dma_semaphore, #tpu.memory_space<semaphore_mem>>) src(%dma_wait3A_181 : memref<80x128xf32, #tpu.memory_space<vmem>>) dst(%dma_wait3A_187 : memref<10240x128xf32, #tpu.memory_space<vmem_shared>>)
        tpu.yield
      }) : () -> ()
      %add3A_154 = arith.constant 3 : i32
      %add3A_155 = arith.addi %mul3A_112, %add3A_154 : i32
      %mul3A_156 = arith.constant 80 : i32
      %mul3A_157 = arith.muli %add3A_155, %mul3A_156 : i32
      %dma_start3A_158 = arith.constant 1 : i32
      %dma_start3A_159 = arith.constant 0 : i32
      %dma_start3A_160 = arith.constant 0 : i32
      %dma_start3A_161 = tpu.memref_slice %arg8[%dma_start3A_158, %dma_start3A_159, %dma_start3A_160] : memref<2x80x128xf32, #tpu.memory_space<vmem>> -> memref<1x80x128xf32, #tpu.memory_space<vmem>>
      %dma_start3A_162 = tpu.memref_squeeze %dma_start3A_161 : memref<1x80x128xf32, #tpu.memory_space<vmem>> -> memref<80x128xf32, #tpu.memory_space<vmem>>
      %dma_start3A_163 = tpu.memref_slice %arg6[%mul3A_157] : memref<10000xi32, #tpu.memory_space<vmem>> -> memref<80xi32, #tpu.memory_space<vmem>>
      %dma_start3A_164 = arith.constant 0 : i32
      %dma_start3A_165 = arith.constant 0 : i32
      %dma_start3A_166 = tpu.memref_slice %arg2[%dma_start3A_164, %dma_start3A_165] : memref<10000x128xf32, #tpu.memory_space<hbm>> -> memref<10000x128xf32, #tpu.memory_space<hbm>>
      tpu.enqueue_indirect_dma source(%dma_start3A_166 : memref<10000x128xf32, #tpu.memory_space<hbm>>) target(%dma_start3A_162 : memref<80x128xf32, #tpu.memory_space<vmem>>) offsets(%dma_start3A_163 : memref<80xi32, #tpu.memory_space<vmem>>) semaphore(%arg11 : memref<!tpu.dma_semaphore, #tpu.memory_space<semaphore_mem>>)
    }
    %scan3A_57 = arith.constant 61 : i32
    %dma_wait3A_58 = arith.constant 0 : i32
    %dma_wait3A_59 = arith.constant 0 : i32
    %dma_wait3A_60 = arith.constant 0 : i32
    %dma_wait3A_61 = tpu.memref_slice %arg8[%dma_wait3A_58, %dma_wait3A_59, %dma_wait3A_60] : memref<2x80x128xf32, #tpu.memory_space<vmem>> -> memref<1x80x128xf32, #tpu.memory_space<vmem>>
    %dma_wait3A_62 = tpu.memref_squeeze %dma_wait3A_61 : memref<1x80x128xf32, #tpu.memory_space<vmem>> -> memref<80x128xf32, #tpu.memory_space<vmem>>
    %dma_wait3A_63 = arith.constant 9760 : i32
    %dma_wait3A_64 = tpu.memref_slice %arg6[%dma_wait3A_63] : memref<10000xi32, #tpu.memory_space<vmem>> -> memref<80xi32, #tpu.memory_space<vmem>>
    %dma_wait3A_65 = arith.constant 0 : i32
    %dma_wait3A_66 = arith.constant 0 : i32
    %dma_wait3A_67 = tpu.memref_slice %arg2[%dma_wait3A_65, %dma_wait3A_66] : memref<10000x128xf32, #tpu.memory_space<hbm>> -> memref<10000x128xf32, #tpu.memory_space<hbm>>
    tpu.wait_indirect_dma semaphore(%arg10 : memref<!tpu.dma_semaphore, #tpu.memory_space<semaphore_mem>>) src(%dma_wait3A_67 : memref<10000x128xf32, #tpu.memory_space<hbm>>) dst(%dma_wait3A_62 : memref<80x128xf32, #tpu.memory_space<vmem>>)
    %run_scoped3A = arith.constant 0 : i32
    %run_scoped3A_68 = arith.constant 122 : i32
    "tpu.region"() ({
      %run_scoped3A_110 = tpu.sem_alloc : memref<!tpu.dma_semaphore, #tpu.memory_space<semaphore_mem>>
      %dma_start3A_111 = arith.constant 0 : i32
      %dma_start3A_112 = arith.constant 0 : i32
      %dma_start3A_113 = tpu.memref_slice %arg8[%run_scoped3A, %dma_start3A_111, %dma_start3A_112] : memref<2x80x128xf32, #tpu.memory_space<vmem>> -> memref<1x80x128xf32, #tpu.memory_space<vmem>>
      %dma_start3A_114 = tpu.memref_squeeze %dma_start3A_113 : memref<1x80x128xf32, #tpu.memory_space<vmem>> -> memref<80x128xf32, #tpu.memory_space<vmem>>
      %dma_start3A_115 = arith.constant 0 : i32
      %dma_start3A_116 = tpu.memref_slice %arg7[%run_scoped3A_68, %dma_start3A_115] : memref<125x80xi32, #tpu.memory_space<vmem>> -> memref<1x80xi32, #tpu.memory_space<vmem>>
      %dma_start3A_117 = tpu.memref_squeeze %dma_start3A_116 : memref<1x80xi32, #tpu.memory_space<vmem>> -> memref<80xi32, #tpu.memory_space<vmem>>
      %dma_start3A_118 = arith.constant 0 : i32
      %dma_start3A_119 = arith.constant 0 : i32
      %dma_start3A_120 = tpu.memref_slice %arg9[%dma_start3A_118, %dma_start3A_119] : memref<10240x128xf32, #tpu.memory_space<vmem_shared>> -> memref<10240x128xf32, #tpu.memory_space<vmem_shared>>
      tpu.enqueue_indirect_dma source(%dma_start3A_114 : memref<80x128xf32, #tpu.memory_space<vmem>>) target(%dma_start3A_120 : memref<10240x128xf32, #tpu.memory_space<vmem_shared>>) offsets(%dma_start3A_117 : memref<80xi32, #tpu.memory_space<vmem>>) semaphore(%run_scoped3A_110 : memref<!tpu.dma_semaphore, #tpu.memory_space<semaphore_mem>>) {add = true}
      %dma_wait3A_121 = arith.constant 0 : i32
      %dma_wait3A_122 = arith.constant 0 : i32
      %dma_wait3A_123 = tpu.memref_slice %arg8[%run_scoped3A, %dma_wait3A_121, %dma_wait3A_122] : memref<2x80x128xf32, #tpu.memory_space<vmem>> -> memref<1x80x128xf32, #tpu.memory_space<vmem>>
      %dma_wait3A_124 = tpu.memref_squeeze %dma_wait3A_123 : memref<1x80x128xf32, #tpu.memory_space<vmem>> -> memref<80x128xf32, #tpu.memory_space<vmem>>
      %dma_wait3A_125 = arith.constant 0 : i32
      %dma_wait3A_126 = tpu.memref_slice %arg7[%run_scoped3A_68, %dma_wait3A_125] : memref<125x80xi32, #tpu.memory_space<vmem>> -> memref<1x80xi32, #tpu.memory_space<vmem>>
      %dma_wait3A_127 = tpu.memref_squeeze %dma_wait3A_126 : memref<1x80xi32, #tpu.memory_space<vmem>> -> memref<80xi32, #tpu.memory_space<vmem>>
      %dma_wait3A_128 = arith.constant 0 : i32
      %dma_wait3A_129 = arith.constant 0 : i32
      %dma_wait3A_130 = tpu.memref_slice %arg9[%dma_wait3A_128, %dma_wait3A_129] : memref<10240x128xf32, #tpu.memory_space<vmem_shared>> -> memref<10240x128xf32, #tpu.memory_space<vmem_shared>>
      tpu.wait_indirect_dma semaphore(%run_scoped3A_110 : memref<!tpu.dma_semaphore, #tpu.memory_space<semaphore_mem>>) src(%dma_wait3A_124 : memref<80x128xf32, #tpu.memory_space<vmem>>) dst(%dma_wait3A_130 : memref<10240x128xf32, #tpu.memory_space<vmem_shared>>)
      tpu.yield
    }) : () -> ()
    %dma_start3A_69 = arith.constant 0 : i32
    %dma_start3A_70 = arith.constant 0 : i32
    %dma_start3A_71 = arith.constant 0 : i32
    %dma_start3A_72 = tpu.memref_slice %arg8[%dma_start3A_69, %dma_start3A_70, %dma_start3A_71] : memref<2x80x128xf32, #tpu.memory_space<vmem>> -> memref<1x80x128xf32, #tpu.memory_space<vmem>>
    %dma_start3A_73 = tpu.memref_squeeze %dma_start3A_72 : memref<1x80x128xf32, #tpu.memory_space<vmem>> -> memref<80x128xf32, #tpu.memory_space<vmem>>
    %dma_start3A_74 = arith.constant 9920 : i32
    %dma_start3A_75 = tpu.memref_slice %arg6[%dma_start3A_74] : memref<10000xi32, #tpu.memory_space<vmem>> -> memref<80xi32, #tpu.memory_space<vmem>>
    %dma_start3A_76 = arith.constant 0 : i32
    %dma_start3A_77 = arith.constant 0 : i32
    %dma_start3A_78 = tpu.memref_slice %arg2[%dma_start3A_76, %dma_start3A_77] : memref<10000x128xf32, #tpu.memory_space<hbm>> -> memref<10000x128xf32, #tpu.memory_space<hbm>>
    tpu.enqueue_indirect_dma source(%dma_start3A_78 : memref<10000x128xf32, #tpu.memory_space<hbm>>) target(%dma_start3A_73 : memref<80x128xf32, #tpu.memory_space<vmem>>) offsets(%dma_start3A_75 : memref<80xi32, #tpu.memory_space<vmem>>) semaphore(%arg10 : memref<!tpu.dma_semaphore, #tpu.memory_space<semaphore_mem>>)
    %dma_wait3A_79 = arith.constant 1 : i32
    %dma_wait3A_80 = arith.constant 0 : i32
    %dma_wait3A_81 = arith.constant 0 : i32
    %dma_wait3A_82 = tpu.memref_slice %arg8[%dma_wait3A_79, %dma_wait3A_80, %dma_wait3A_81] : memref<2x80x128xf32, #tpu.memory_space<vmem>> -> memref<1x80x128xf32, #tpu.memory_space<vmem>>
    %dma_wait3A_83 = tpu.memref_squeeze %dma_wait3A_82 : memref<1x80x128xf32, #tpu.memory_space<vmem>> -> memref<80x128xf32, #tpu.memory_space<vmem>>
    %dma_wait3A_84 = arith.constant 9840 : i32
    %dma_wait3A_85 = tpu.memref_slice %arg6[%dma_wait3A_84] : memref<10000xi32, #tpu.memory_space<vmem>> -> memref<80xi32, #tpu.memory_space<vmem>>
    %dma_wait3A_86 = arith.constant 0 : i32
    %dma_wait3A_87 = arith.constant 0 : i32
    %dma_wait3A_88 = tpu.memref_slice %arg2[%dma_wait3A_86, %dma_wait3A_87] : memref<10000x128xf32, #tpu.memory_space<hbm>> -> memref<10000x128xf32, #tpu.memory_space<hbm>>
    tpu.wait_indirect_dma semaphore(%arg11 : memref<!tpu.dma_semaphore, #tpu.memory_space<semaphore_mem>>) src(%dma_wait3A_88 : memref<10000x128xf32, #tpu.memory_space<hbm>>) dst(%dma_wait3A_83 : memref<80x128xf32, #tpu.memory_space<vmem>>)
    %run_scoped3A_89 = arith.constant 1 : i32
    %run_scoped3A_90 = arith.constant 123 : i32
    "tpu.region"() ({
      %run_scoped3A_110 = tpu.sem_alloc : memref<!tpu.dma_semaphore, #tpu.memory_space<semaphore_mem>>
      %dma_start3A_111 = arith.constant 0 : i32
      %dma_start3A_112 = arith.constant 0 : i32
      %dma_start3A_113 = tpu.memref_slice %arg8[%run_scoped3A_89, %dma_start3A_111, %dma_start3A_112] : memref<2x80x128xf32, #tpu.memory_space<vmem>> -> memref<1x80x128xf32, #tpu.memory_space<vmem>>
      %dma_start3A_114 = tpu.memref_squeeze %dma_start3A_113 : memref<1x80x128xf32, #tpu.memory_space<vmem>> -> memref<80x128xf32, #tpu.memory_space<vmem>>
      %dma_start3A_115 = arith.constant 0 : i32
      %dma_start3A_116 = tpu.memref_slice %arg7[%run_scoped3A_90, %dma_start3A_115] : memref<125x80xi32, #tpu.memory_space<vmem>> -> memref<1x80xi32, #tpu.memory_space<vmem>>
      %dma_start3A_117 = tpu.memref_squeeze %dma_start3A_116 : memref<1x80xi32, #tpu.memory_space<vmem>> -> memref<80xi32, #tpu.memory_space<vmem>>
      %dma_start3A_118 = arith.constant 0 : i32
      %dma_start3A_119 = arith.constant 0 : i32
      %dma_start3A_120 = tpu.memref_slice %arg9[%dma_start3A_118, %dma_start3A_119] : memref<10240x128xf32, #tpu.memory_space<vmem_shared>> -> memref<10240x128xf32, #tpu.memory_space<vmem_shared>>
      tpu.enqueue_indirect_dma source(%dma_start3A_114 : memref<80x128xf32, #tpu.memory_space<vmem>>) target(%dma_start3A_120 : memref<10240x128xf32, #tpu.memory_space<vmem_shared>>) offsets(%dma_start3A_117 : memref<80xi32, #tpu.memory_space<vmem>>) semaphore(%run_scoped3A_110 : memref<!tpu.dma_semaphore, #tpu.memory_space<semaphore_mem>>) {add = true}
      %dma_wait3A_121 = arith.constant 0 : i32
      %dma_wait3A_122 = arith.constant 0 : i32
      %dma_wait3A_123 = tpu.memref_slice %arg8[%run_scoped3A_89, %dma_wait3A_121, %dma_wait3A_122] : memref<2x80x128xf32, #tpu.memory_space<vmem>> -> memref<1x80x128xf32, #tpu.memory_space<vmem>>
      %dma_wait3A_124 = tpu.memref_squeeze %dma_wait3A_123 : memref<1x80x128xf32, #tpu.memory_space<vmem>> -> memref<80x128xf32, #tpu.memory_space<vmem>>
      %dma_wait3A_125 = arith.constant 0 : i32
      %dma_wait3A_126 = tpu.memref_slice %arg7[%run_scoped3A_90, %dma_wait3A_125] : memref<125x80xi32, #tpu.memory_space<vmem>> -> memref<1x80xi32, #tpu.memory_space<vmem>>
      %dma_wait3A_127 = tpu.memref_squeeze %dma_wait3A_126 : memref<1x80xi32, #tpu.memory_space<vmem>> -> memref<80xi32, #tpu.memory_space<vmem>>
      %dma_wait3A_128 = arith.constant 0 : i32
      %dma_wait3A_129 = arith.constant 0 : i32
      %dma_wait3A_130 = tpu.memref_slice %arg9[%dma_wait3A_128, %dma_wait3A_129] : memref<10240x128xf32, #tpu.memory_space<vmem_shared>> -> memref<10240x128xf32, #tpu.memory_space<vmem_shared>>
      tpu.wait_indirect_dma semaphore(%run_scoped3A_110 : memref<!tpu.dma_semaphore, #tpu.memory_space<semaphore_mem>>) src(%dma_wait3A_124 : memref<80x128xf32, #tpu.memory_space<vmem>>) dst(%dma_wait3A_130 : memref<10240x128xf32, #tpu.memory_space<vmem_shared>>)
      tpu.yield
    }) : () -> ()
    %dma_wait3A_91 = arith.constant 0 : i32
    %dma_wait3A_92 = arith.constant 0 : i32
    %dma_wait3A_93 = arith.constant 0 : i32
    %dma_wait3A_94 = tpu.memref_slice %arg8[%dma_wait3A_91, %dma_wait3A_92, %dma_wait3A_93] : memref<2x80x128xf32, #tpu.memory_space<vmem>> -> memref<1x80x128xf32, #tpu.memory_space<vmem>>
    %dma_wait3A_95 = tpu.memref_squeeze %dma_wait3A_94 : memref<1x80x128xf32, #tpu.memory_space<vmem>> -> memref<80x128xf32, #tpu.memory_space<vmem>>
    %dma_wait3A_96 = arith.constant 9920 : i32
    %dma_wait3A_97 = tpu.memref_slice %arg6[%dma_wait3A_96] : memref<10000xi32, #tpu.memory_space<vmem>> -> memref<80xi32, #tpu.memory_space<vmem>>
    %dma_wait3A_98 = arith.constant 0 : i32
    %dma_wait3A_99 = arith.constant 0 : i32
    %dma_wait3A_100 = tpu.memref_slice %arg2[%dma_wait3A_98, %dma_wait3A_99] : memref<10000x128xf32, #tpu.memory_space<hbm>> -> memref<10000x128xf32, #tpu.memory_space<hbm>>
    tpu.wait_indirect_dma semaphore(%arg10 : memref<!tpu.dma_semaphore, #tpu.memory_space<semaphore_mem>>) src(%dma_wait3A_100 : memref<10000x128xf32, #tpu.memory_space<hbm>>) dst(%dma_wait3A_95 : memref<80x128xf32, #tpu.memory_space<vmem>>)
    %run_scoped3A_101 = arith.constant 0 : i32
    %run_scoped3A_102 = arith.constant 124 : i32
    "tpu.region"() ({
      %run_scoped3A_110 = tpu.sem_alloc : memref<!tpu.dma_semaphore, #tpu.memory_space<semaphore_mem>>
      %dma_start3A_111 = arith.constant 0 : i32
      %dma_start3A_112 = arith.constant 0 : i32
      %dma_start3A_113 = tpu.memref_slice %arg8[%run_scoped3A_101, %dma_start3A_111, %dma_start3A_112] : memref<2x80x128xf32, #tpu.memory_space<vmem>> -> memref<1x80x128xf32, #tpu.memory_space<vmem>>
      %dma_start3A_114 = tpu.memref_squeeze %dma_start3A_113 : memref<1x80x128xf32, #tpu.memory_space<vmem>> -> memref<80x128xf32, #tpu.memory_space<vmem>>
      %dma_start3A_115 = arith.constant 0 : i32
      %dma_start3A_116 = tpu.memref_slice %arg7[%run_scoped3A_102, %dma_start3A_115] : memref<125x80xi32, #tpu.memory_space<vmem>> -> memref<1x80xi32, #tpu.memory_space<vmem>>
      %dma_start3A_117 = tpu.memref_squeeze %dma_start3A_116 : memref<1x80xi32, #tpu.memory_space<vmem>> -> memref<80xi32, #tpu.memory_space<vmem>>
      %dma_start3A_118 = arith.constant 0 : i32
      %dma_start3A_119 = arith.constant 0 : i32
      %dma_start3A_120 = tpu.memref_slice %arg9[%dma_start3A_118, %dma_start3A_119] : memref<10240x128xf32, #tpu.memory_space<vmem_shared>> -> memref<10240x128xf32, #tpu.memory_space<vmem_shared>>
      tpu.enqueue_indirect_dma source(%dma_start3A_114 : memref<80x128xf32, #tpu.memory_space<vmem>>) target(%dma_start3A_120 : memref<10240x128xf32, #tpu.memory_space<vmem_shared>>) offsets(%dma_start3A_117 : memref<80xi32, #tpu.memory_space<vmem>>) semaphore(%run_scoped3A_110 : memref<!tpu.dma_semaphore, #tpu.memory_space<semaphore_mem>>) {add = true}
      %dma_wait3A_121 = arith.constant 0 : i32
      %dma_wait3A_122 = arith.constant 0 : i32
      %dma_wait3A_123 = tpu.memref_slice %arg8[%run_scoped3A_101, %dma_wait3A_121, %dma_wait3A_122] : memref<2x80x128xf32, #tpu.memory_space<vmem>> -> memref<1x80x128xf32, #tpu.memory_space<vmem>>
      %dma_wait3A_124 = tpu.memref_squeeze %dma_wait3A_123 : memref<1x80x128xf32, #tpu.memory_space<vmem>> -> memref<80x128xf32, #tpu.memory_space<vmem>>
      %dma_wait3A_125 = arith.constant 0 : i32
      %dma_wait3A_126 = tpu.memref_slice %arg7[%run_scoped3A_102, %dma_wait3A_125] : memref<125x80xi32, #tpu.memory_space<vmem>> -> memref<1x80xi32, #tpu.memory_space<vmem>>
      %dma_wait3A_127 = tpu.memref_squeeze %dma_wait3A_126 : memref<1x80xi32, #tpu.memory_space<vmem>> -> memref<80xi32, #tpu.memory_space<vmem>>
      %dma_wait3A_128 = arith.constant 0 : i32
      %dma_wait3A_129 = arith.constant 0 : i32
      %dma_wait3A_130 = tpu.memref_slice %arg9[%dma_wait3A_128, %dma_wait3A_129] : memref<10240x128xf32, #tpu.memory_space<vmem_shared>> -> memref<10240x128xf32, #tpu.memory_space<vmem_shared>>
      tpu.wait_indirect_dma semaphore(%run_scoped3A_110 : memref<!tpu.dma_semaphore, #tpu.memory_space<semaphore_mem>>) src(%dma_wait3A_124 : memref<80x128xf32, #tpu.memory_space<vmem>>) dst(%dma_wait3A_130 : memref<10240x128xf32, #tpu.memory_space<vmem_shared>>)
      tpu.yield
    }) : () -> ()
    %barrier3A_103 = arith.constant 0 : index
    tpu.barrier barrier_id(%barrier3A_103)
    %scan3A_104 = arith.constant 0 : i32
    %scan3A_105 = arith.constant 0 : i32
    %scan3A_106 = arith.constant 8 : i32
    %scan3A_107 = arith.addi %scan3A_105, %scan3A_106 : i32
    %scan3A_108 = arith.constant 1 : i32
    scf.for %scan3A_110 = %scan3A_105 to %scan3A_107 step %scan3A_108  : i32 {
      %mul3A_111 = arith.constant 640 : i32
      %mul3A_112 = arith.muli %arg1, %mul3A_111 : i32
      %mul3A_113 = arith.constant 80 : i32
      %mul3A_114 = arith.muli %scan3A_110, %mul3A_113 : i32
      %add3A_115 = arith.addi %mul3A_112, %mul3A_114 : i32
      "tpu.region"() ({
        %run_scoped3A_116 = tpu.sem_alloc : memref<!tpu.dma_semaphore, #tpu.memory_space<semaphore_mem>>
        %dma_start3A_117 = arith.constant 0 : i32
        %dma_start3A_118 = tpu.memref_slice %arg5[%arg0, %add3A_115, %dma_start3A_117] : memref<2x10240x128xf32, #tpu.memory_space<hbm>> -> memref<1x80x128xf32, #tpu.memory_space<hbm>>
        %dma_start3A_119 = tpu.memref_squeeze %dma_start3A_118 : memref<1x80x128xf32, #tpu.memory_space<hbm>> -> memref<80x128xf32, #tpu.memory_space<hbm>>
        %dma_start3A_120 = arith.constant 0 : i32
        %dma_start3A_121 = tpu.memref_slice %arg9[%add3A_115, %dma_start3A_120] : memref<10240x128xf32, #tpu.memory_space<vmem_shared>> -> memref<80x128xf32, #tpu.memory_space<vmem_shared>>
        tpu.enqueue_dma source(%dma_start3A_121 : memref<80x128xf32, #tpu.memory_space<vmem_shared>>) target(%dma_start3A_119 : memref<80x128xf32, #tpu.memory_space<hbm>>) target_semaphore(%run_scoped3A_116 : memref<!tpu.dma_semaphore, #tpu.memory_space<semaphore_mem>>)
        %dma_wait3A_122 = arith.constant 0 : i32
        %dma_wait3A_123 = tpu.memref_slice %arg5[%arg0, %add3A_115, %dma_wait3A_122] : memref<2x10240x128xf32, #tpu.memory_space<hbm>> -> memref<1x80x128xf32, #tpu.memory_space<hbm>>
        %dma_wait3A_124 = tpu.memref_squeeze %dma_wait3A_123 : memref<1x80x128xf32, #tpu.memory_space<hbm>> -> memref<80x128xf32, #tpu.memory_space<hbm>>
        %dma_wait3A_125 = arith.constant 0 : i32
        %dma_wait3A_126 = tpu.memref_slice %arg9[%add3A_115, %dma_wait3A_125] : memref<10240x128xf32, #tpu.memory_space<vmem_shared>> -> memref<80x128xf32, #tpu.memory_space<vmem_shared>>
        tpu.wait_dma2 semaphore(%run_scoped3A_116 : memref<!tpu.dma_semaphore, #tpu.memory_space<semaphore_mem>>) src(%dma_wait3A_126 : memref<80x128xf32, #tpu.memory_space<vmem_shared>>) dst(%dma_wait3A_124 : memref<80x128xf32, #tpu.memory_space<hbm>>)
        tpu.yield
      }) : () -> ()
    }
    %scan3A_109 = arith.constant 8 : i32
    return
  }
}

module attributes {stable_mosaic.version = 14 : i64} {
  func.func @body(%arg0: i32, %arg1: memref<1000x128xf32, #tpu.memory_space<vmem>>, %arg2: memref<2x1000x128xf32, #tpu.memory_space<vmem>>, %arg3: memref<128x128xf32, #tpu.memory_space<vmem>>, %arg4: memref<1x128xf32, #tpu.memory_space<vmem>>, %arg5: memref<128x128xf32, #tpu.memory_space<vmem>>, %arg6: memref<1x128xf32, #tpu.memory_space<vmem>>, %arg7: memref<1000x128xf32, #tpu.memory_space<vmem>>) attributes {dimension_semantics = [#tpu.dimension_semantics<arbitrary>], iteration_bounds = array<i64: 10>, scalar_prefetch = 0 : i64, scratch_operands = 0 : i64, tpu.core_type = #tpu.core_type<tc>, window_params = [{transform_indices = @transform_0, window_bounds = array<i64: 1000, 128>}, {transform_indices = @transform_1, window_bounds = array<i64: 2, 1000, 128>}, {pipeline_mode = #tpu.pipeline_mode<synchronous>, transform_indices = @transform_2, window_bounds = array<i64: 128, 128>}, {pipeline_mode = #tpu.pipeline_mode<synchronous>, transform_indices = @transform_3, window_bounds = array<i64: 1, 128>}, {pipeline_mode = #tpu.pipeline_mode<synchronous>, transform_indices = @transform_4, window_bounds = array<i64: 128, 128>}, {pipeline_mode = #tpu.pipeline_mode<synchronous>, transform_indices = @transform_5, window_bounds = array<i64: 1, 128>}, {transform_indices = @transform_6, window_bounds = array<i64: 1000, 128>}]} {
    %get3A = arith.constant 0 : index
    %get3A_0 = arith.constant 0 : index
    %get3A_1 = vector.load %arg1[%get3A, %get3A_0] : memref<1000x128xf32, #tpu.memory_space<vmem>>, vector<1000x128xf32>
    %get3A_2 = arith.constant 0 : index
    %get3A_3 = arith.constant 0 : index
    %get3A_4 = arith.constant 0 : index
    %get3A_5 = vector.load %arg2[%get3A_2, %get3A_3, %get3A_4] : memref<2x1000x128xf32, #tpu.memory_space<vmem>>, vector<1x1000x128xf32>
    %get3A_6 = vector.shape_cast %get3A_5 : vector<1x1000x128xf32> to vector<1000x128xf32>
    %add3A = arith.addf %get3A_1, %get3A_6 : vector<1000x128xf32>
    %get3A_7 = arith.constant 1 : index
    %get3A_8 = arith.constant 0 : index
    %get3A_9 = arith.constant 0 : index
    %get3A_10 = vector.load %arg2[%get3A_7, %get3A_8, %get3A_9] : memref<2x1000x128xf32, #tpu.memory_space<vmem>>, vector<1x1000x128xf32>
    %get3A_11 = vector.shape_cast %get3A_10 : vector<1x1000x128xf32> to vector<1000x128xf32>
    %add3A_12 = arith.addf %add3A, %get3A_11 : vector<1000x128xf32>
    %get3A_13 = arith.constant 0 : index
    %get3A_14 = arith.constant 0 : index
    %get3A_15 = vector.load %arg3[%get3A_13, %get3A_14] : memref<128x128xf32, #tpu.memory_space<vmem>>, vector<128x128xf32>
    %dot_general3A = arith.constant dense<0.000000e+00> : vector<1000x128xf32>
    %dot_general3A_16 = tpu.matmul %add3A_12, %get3A_15, %dot_general3A {dimension_numbers = #tpu.dot_dimension_numbers<[1], [0], [0], [1], [0, 0, 1, 1], [], []>, transpose_lhs_hint = false} : vector<1000x128xf32>, vector<128x128xf32>, vector<1000x128xf32> -> vector<1000x128xf32>
    %get3A_17 = arith.constant 0 : index
    %get3A_18 = arith.constant 0 : index
    %get3A_19 = vector.load %arg4[%get3A_17, %get3A_18] : memref<1x128xf32, #tpu.memory_space<vmem>>, vector<1x128xf32>
    %add3A_20 = vector.broadcast %get3A_19 : vector<1x128xf32> to vector<1000x128xf32>
    %add3A_21 = arith.addf %dot_general3A_16, %add3A_20 : vector<1000x128xf32>
    %max3A = arith.constant 0.000000e+00 : f32
    %max3A_22 = vector.broadcast %max3A : f32 to vector<1000x128xf32>
    %max3A_23 = arith.maximumf %add3A_21, %max3A_22 : vector<1000x128xf32>
    %get3A_24 = arith.constant 0 : index
    %get3A_25 = arith.constant 0 : index
    %get3A_26 = vector.load %arg5[%get3A_24, %get3A_25] : memref<128x128xf32, #tpu.memory_space<vmem>>, vector<128x128xf32>
    %dot_general3A_27 = arith.constant dense<0.000000e+00> : vector<1000x128xf32>
    %dot_general3A_28 = tpu.matmul %max3A_23, %get3A_26, %dot_general3A_27 {dimension_numbers = #tpu.dot_dimension_numbers<[1], [0], [0], [1], [0, 0, 1, 1], [], []>, transpose_lhs_hint = false} : vector<1000x128xf32>, vector<128x128xf32>, vector<1000x128xf32> -> vector<1000x128xf32>
    %get3A_29 = arith.constant 0 : index
    %get3A_30 = arith.constant 0 : index
    %get3A_31 = vector.load %arg6[%get3A_29, %get3A_30] : memref<1x128xf32, #tpu.memory_space<vmem>>, vector<1x128xf32>
    %add3A_32 = vector.broadcast %get3A_31 : vector<1x128xf32> to vector<1000x128xf32>
    %add3A_33 = arith.addf %dot_general3A_28, %add3A_32 : vector<1000x128xf32>
    %max3A_34 = arith.constant 0.000000e+00 : f32
    %max3A_35 = vector.broadcast %max3A_34 : f32 to vector<1000x128xf32>
    %max3A_36 = arith.maximumf %add3A_33, %max3A_35 : vector<1000x128xf32>
    %swap3A = arith.constant 0 : index
    %swap3A_37 = arith.constant 0 : index
    %swap3A_38 = vector.load %arg7[%swap3A, %swap3A_37] : memref<1000x128xf32, #tpu.memory_space<vmem>>, vector<1000x128xf32>
    tpu.vector_store %arg7[%swap3A, %swap3A_37], %max3A_36 {strides = array<i32>} : memref<1000x128xf32, #tpu.memory_space<vmem>>, vector<1000x128xf32>,
    return
  }
  func.func @transform_0(%arg0: i32) -> (i32, i32) {
    %c0_i32 = arith.constant 0 : i32
    %c0_i32_0 = arith.constant 0 : i32
    return %arg0, %c0_i32 : i32, i32
  }
  func.func @transform_1(%arg0: i32) -> (i32, i32, i32) {
    %c0_i32 = arith.constant 0 : i32
    %c0_i32_0 = arith.constant 0 : i32
    %c0_i32_1 = arith.constant 0 : i32
    return %c0_i32, %arg0, %c0_i32_0 : i32, i32, i32
  }
  func.func @transform_2(%arg0: i32) -> (i32, i32) {
    %c0_i32 = arith.constant 0 : i32
    %c0_i32_0 = arith.constant 0 : i32
    %c0_i32_1 = arith.constant 0 : i32
    return %c0_i32, %c0_i32_0 : i32, i32
  }
  func.func @transform_3(%arg0: i32) -> (i32, i32) {
    %c0_i32 = arith.constant 0 : i32
    %c0_i32_0 = arith.constant 0 : i32
    %c0_i32_1 = arith.constant 0 : i32
    return %c0_i32, %c0_i32_0 : i32, i32
  }
  func.func @transform_4(%arg0: i32) -> (i32, i32) {
    %c0_i32 = arith.constant 0 : i32
    %c0_i32_0 = arith.constant 0 : i32
    %c0_i32_1 = arith.constant 0 : i32
    return %c0_i32, %c0_i32_0 : i32, i32
  }
  func.func @transform_5(%arg0: i32) -> (i32, i32) {
    %c0_i32 = arith.constant 0 : i32
    %c0_i32_0 = arith.constant 0 : i32
    %c0_i32_1 = arith.constant 0 : i32
    return %c0_i32, %c0_i32_0 : i32, i32
  }
  func.func @transform_6(%arg0: i32) -> (i32, i32) {
    %c0_i32 = arith.constant 0 : i32
    %c0_i32_0 = arith.constant 0 : i32
    return %arg0, %c0_i32 : i32, i32
  }
}

module attributes {stable_mosaic.version = 14 : i64} {
  func.func @body(%arg0: i32, %arg1: memref<1000x128xf32, #tpu.memory_space<vmem>>, %arg2: memref<2x1000x128xf32, #tpu.memory_space<vmem>>, %arg3: memref<128x128xf32, #tpu.memory_space<vmem>>, %arg4: memref<1x128xf32, #tpu.memory_space<vmem>>, %arg5: memref<128x128xf32, #tpu.memory_space<vmem>>, %arg6: memref<1x128xf32, #tpu.memory_space<vmem>>, %arg7: memref<1x1x1000xi32, #tpu.memory_space<vmem>>, %arg8: memref<128x1xf32, #tpu.memory_space<vmem>>, %arg9: memref<1x1xf32, #tpu.memory_space<vmem>>, %arg10: memref<64x1xf32, #tpu.memory_space<vmem>>, %arg11: memref<64x128xf32, #tpu.memory_space<vmem>>, %arg12: memref<64x1xf32, #tpu.memory_space<vmem>>) attributes {dimension_semantics = [#tpu.dimension_semantics<arbitrary>], iteration_bounds = array<i64: 10>, scalar_prefetch = 0 : i64, scratch_operands = 2 : i64, tpu.core_type = #tpu.core_type<tc>, window_params = [{transform_indices = @transform_0, window_bounds = array<i64: 1000, 128>}, {transform_indices = @transform_1, window_bounds = array<i64: 2, 1000, 128>}, {pipeline_mode = #tpu.pipeline_mode<synchronous>, transform_indices = @transform_2, window_bounds = array<i64: 128, 128>}, {pipeline_mode = #tpu.pipeline_mode<synchronous>, transform_indices = @transform_3, window_bounds = array<i64: 1, 128>}, {pipeline_mode = #tpu.pipeline_mode<synchronous>, transform_indices = @transform_4, window_bounds = array<i64: 128, 128>}, {pipeline_mode = #tpu.pipeline_mode<synchronous>, transform_indices = @transform_5, window_bounds = array<i64: 1, 128>}, {transform_indices = @transform_6, window_bounds = array<i64: 1, 1, 1000>}, {pipeline_mode = #tpu.pipeline_mode<synchronous>, transform_indices = @transform_7, window_bounds = array<i64: 128, 1>}, {pipeline_mode = #tpu.pipeline_mode<synchronous>, transform_indices = @transform_8, window_bounds = array<i64: 1, 1>}, {pipeline_mode = #tpu.pipeline_mode<synchronous>, transform_indices = @transform_9, window_bounds = array<i64: 64, 1>}]} {
    %eq3A = arith.constant 0 : i32
    %eq3A_0 = arith.cmpi eq, %arg0, %eq3A : i32
    %convert_element_type3A = arith.extui %eq3A_0 : i1 to i32
    %cond3A = arith.constant 0 : i32
    %cond3A_1 = arith.cmpi ne, %convert_element_type3A, %cond3A : i32
    scf.if %cond3A_1 {
      %broadcast_in_dim3A_70 = arith.constant 0.000000e+00 : f32
      %broadcast_in_dim3A_71 = vector.broadcast %broadcast_in_dim3A_70 : f32 to vector<64x128xf32>
      %swap3A_72 = arith.constant 0 : index
      %swap3A_73 = arith.constant 0 : index
      %swap3A_74 = vector.load %arg11[%swap3A_72, %swap3A_73] : memref<64x128xf32, #tpu.memory_space<vmem>>, vector<64x128xf32>
      tpu.vector_store %arg11[%swap3A_72, %swap3A_73], %broadcast_in_dim3A_71 {strides = array<i32>} : memref<64x128xf32, #tpu.memory_space<vmem>>, vector<64x128xf32>,
      %broadcast_in_dim3A_75 = arith.constant 0.000000e+00 : f32
      %broadcast_in_dim3A_76 = vector.broadcast %broadcast_in_dim3A_75 : f32 to vector<64x1xf32>
      %swap3A_77 = arith.constant 0 : index
      %swap3A_78 = arith.constant 0 : index
      %swap3A_79 = vector.load %arg12[%swap3A_77, %swap3A_78] : memref<64x1xf32, #tpu.memory_space<vmem>>, vector<64x1xf32>
      tpu.vector_store %arg12[%swap3A_77, %swap3A_78], %broadcast_in_dim3A_76 {strides = array<i32>} : memref<64x1xf32, #tpu.memory_space<vmem>>, vector<64x1xf32>,
    } else {
    }
    %get3A = arith.constant 0 : index
    %get3A_2 = arith.constant 0 : index
    %get3A_3 = vector.load %arg1[%get3A, %get3A_2] : memref<1000x128xf32, #tpu.memory_space<vmem>>, vector<1000x128xf32>
    %get3A_4 = arith.constant 0 : index
    %get3A_5 = arith.constant 0 : index
    %get3A_6 = arith.constant 0 : index
    %get3A_7 = vector.load %arg2[%get3A_4, %get3A_5, %get3A_6] : memref<2x1000x128xf32, #tpu.memory_space<vmem>>, vector<1x1000x128xf32>
    %get3A_8 = vector.shape_cast %get3A_7 : vector<1x1000x128xf32> to vector<1000x128xf32>
    %add3A = arith.addf %get3A_3, %get3A_8 : vector<1000x128xf32>
    %get3A_9 = arith.constant 1 : index
    %get3A_10 = arith.constant 0 : index
    %get3A_11 = arith.constant 0 : index
    %get3A_12 = vector.load %arg2[%get3A_9, %get3A_10, %get3A_11] : memref<2x1000x128xf32, #tpu.memory_space<vmem>>, vector<1x1000x128xf32>
    %get3A_13 = vector.shape_cast %get3A_12 : vector<1x1000x128xf32> to vector<1000x128xf32>
    %add3A_14 = arith.addf %add3A, %get3A_13 : vector<1000x128xf32>
    %get3A_15 = arith.constant 0 : index
    %get3A_16 = arith.constant 0 : index
    %get3A_17 = vector.load %arg3[%get3A_15, %get3A_16] : memref<128x128xf32, #tpu.memory_space<vmem>>, vector<128x128xf32>
    %dot_general3A = arith.constant dense<0.000000e+00> : vector<1000x128xf32>
    %dot_general3A_18 = tpu.matmul %add3A_14, %get3A_17, %dot_general3A {dimension_numbers = #tpu.dot_dimension_numbers<[1], [0], [0], [1], [0, 0, 1, 1], [], []>, transpose_lhs_hint = false} : vector<1000x128xf32>, vector<128x128xf32>, vector<1000x128xf32> -> vector<1000x128xf32>
    %get3A_19 = arith.constant 0 : index
    %get3A_20 = arith.constant 0 : index
    %get3A_21 = vector.load %arg4[%get3A_19, %get3A_20] : memref<1x128xf32, #tpu.memory_space<vmem>>, vector<1x128xf32>
    %add3A_22 = vector.broadcast %get3A_21 : vector<1x128xf32> to vector<1000x128xf32>
    %add3A_23 = arith.addf %dot_general3A_18, %add3A_22 : vector<1000x128xf32>
    %max3A = arith.constant 0.000000e+00 : f32
    %max3A_24 = vector.broadcast %max3A : f32 to vector<1000x128xf32>
    %max3A_25 = arith.maximumf %add3A_23, %max3A_24 : vector<1000x128xf32>
    %get3A_26 = arith.constant 0 : index
    %get3A_27 = arith.constant 0 : index
    %get3A_28 = vector.load %arg5[%get3A_26, %get3A_27] : memref<128x128xf32, #tpu.memory_space<vmem>>, vector<128x128xf32>
    %dot_general3A_29 = arith.constant dense<0.000000e+00> : vector<1000x128xf32>
    %dot_general3A_30 = tpu.matmul %max3A_25, %get3A_28, %dot_general3A_29 {dimension_numbers = #tpu.dot_dimension_numbers<[1], [0], [0], [1], [0, 0, 1, 1], [], []>, transpose_lhs_hint = false} : vector<1000x128xf32>, vector<128x128xf32>, vector<1000x128xf32> -> vector<1000x128xf32>
    %get3A_31 = arith.constant 0 : index
    %get3A_32 = arith.constant 0 : index
    %get3A_33 = vector.load %arg6[%get3A_31, %get3A_32] : memref<1x128xf32, #tpu.memory_space<vmem>>, vector<1x128xf32>
    %add3A_34 = vector.broadcast %get3A_33 : vector<1x128xf32> to vector<1000x128xf32>
    %add3A_35 = arith.addf %dot_general3A_30, %add3A_34 : vector<1000x128xf32>
    %max3A_36 = arith.constant 0.000000e+00 : f32
    %max3A_37 = vector.broadcast %max3A_36 : f32 to vector<1000x128xf32>
    %max3A_38 = arith.maximumf %add3A_35, %max3A_37 : vector<1000x128xf32>
    %get3A_39 = arith.constant 0 : index
    %get3A_40 = arith.constant 0 : index
    %get3A_41 = arith.constant 0 : index
    %get3A_42 = vector.load %arg7[%get3A_39, %get3A_40, %get3A_41] : memref<1x1x1000xi32, #tpu.memory_space<vmem>>, vector<1x1x1000xi32>
    %get3A_43 = vector.shape_cast %get3A_42 : vector<1x1x1000xi32> to vector<1000xi32>
    %iota3A = tpu.iota {dimensions = array<i32: 0>} : vector<64x1000xi32>
    %broadcast_in_dim3A = vector.shape_cast %get3A_43 : vector<1000xi32> to vector<1x1000xi32>
    %eq3A_44 = vector.broadcast %broadcast_in_dim3A : vector<1x1000xi32> to vector<64x1000xi32>
    %eq3A_45 = arith.cmpi eq, %iota3A, %eq3A_44 : vector<64x1000xi32>
    %convert_element_type3A_46 = arith.extui %eq3A_45 : vector<64x1000xi1> to vector<64x1000xi32>
    %convert_element_type3A_47 = arith.sitofp %convert_element_type3A_46 : vector<64x1000xi32> to vector<64x1000xf32>
    %get3A_48 = arith.constant 0 : index
    %get3A_49 = arith.constant 0 : index
    %get3A_50 = vector.load %arg11[%get3A_48, %get3A_49] : memref<64x128xf32, #tpu.memory_space<vmem>>, vector<64x128xf32>
    %dot_general3A_51 = arith.constant dense<0.000000e+00> : vector<64x128xf32>
    %dot_general3A_52 = tpu.matmul %convert_element_type3A_47, %max3A_38, %dot_general3A_51 {dimension_numbers = #tpu.dot_dimension_numbers<[1], [0], [0], [1], [0, 0, 1, 1], [], []>, transpose_lhs_hint = false} : vector<64x1000xf32>, vector<1000x128xf32>, vector<64x128xf32> -> vector<64x128xf32>
    %add3A_53 = arith.addf %get3A_50, %dot_general3A_52 : vector<64x128xf32>
    %swap3A = arith.constant 0 : index
    %swap3A_54 = arith.constant 0 : index
    %swap3A_55 = vector.load %arg11[%swap3A, %swap3A_54] : memref<64x128xf32, #tpu.memory_space<vmem>>, vector<64x128xf32>
    tpu.vector_store %arg11[%swap3A, %swap3A_54], %add3A_53 {strides = array<i32>} : memref<64x128xf32, #tpu.memory_space<vmem>>, vector<64x128xf32>,
    %get3A_56 = arith.constant 0 : index
    %get3A_57 = arith.constant 0 : index
    %get3A_58 = vector.load %arg12[%get3A_56, %get3A_57] : memref<64x1xf32, #tpu.memory_space<vmem>>, vector<64x1xf32>
    %reduce_sum3A = arith.constant dense<0.000000e+00> : vector<64xf32>
    %reduce_sum3A_59 = vector.multi_reduction <add>, %convert_element_type3A_47, %reduce_sum3A [1] : vector<64x1000xf32> to vector<64xf32>
    %broadcast_in_dim3A_60 = vector.shape_cast %reduce_sum3A_59 : vector<64xf32> to vector<64x1xf32>
    %add3A_61 = arith.addf %get3A_58, %broadcast_in_dim3A_60 : vector<64x1xf32>
    %swap3A_62 = arith.constant 0 : index
    %swap3A_63 = arith.constant 0 : index
    %swap3A_64 = vector.load %arg12[%swap3A_62, %swap3A_63] : memref<64x1xf32, #tpu.memory_space<vmem>>, vector<64x1xf32>
    tpu.vector_store %arg12[%swap3A_62, %swap3A_63], %add3A_61 {strides = array<i32>} : memref<64x1xf32, #tpu.memory_space<vmem>>, vector<64x1xf32>,
    %eq3A_65 = arith.constant 9 : i32
    %eq3A_66 = arith.cmpi eq, %arg0, %eq3A_65 : i32
    %convert_element_type3A_67 = arith.extui %eq3A_66 : i1 to i32
    %cond3A_68 = arith.constant 0 : i32
    %cond3A_69 = arith.cmpi ne, %convert_element_type3A_67, %cond3A_68 : i32
    scf.if %cond3A_69 {
      %get3A_70 = arith.constant 0 : index
      %get3A_71 = arith.constant 0 : index
      %get3A_72 = vector.load %arg11[%get3A_70, %get3A_71] : memref<64x128xf32, #tpu.memory_space<vmem>>, vector<64x128xf32>
      %get3A_73 = arith.constant 0 : index
      %get3A_74 = arith.constant 0 : index
      %get3A_75 = vector.load %arg12[%get3A_73, %get3A_74] : memref<64x1xf32, #tpu.memory_space<vmem>>, vector<64x1xf32>
      %max3A_76 = arith.constant 1.000000e+00 : f32
      %max3A_77 = vector.broadcast %max3A_76 : f32 to vector<64x1xf32>
      %max3A_78 = arith.maximumf %get3A_75, %max3A_77 : vector<64x1xf32>
      %div3A = vector.broadcast %max3A_78 : vector<64x1xf32> to vector<64x128xf32>
      %div3A_79 = arith.divf %get3A_72, %div3A : vector<64x128xf32>
      %get3A_80 = arith.constant 0 : index
      %get3A_81 = arith.constant 0 : index
      %get3A_82 = vector.load %arg8[%get3A_80, %get3A_81] : memref<128x1xf32, #tpu.memory_space<vmem>>, vector<128x1xf32>
      %dot_general3A_83 = arith.constant dense<0.000000e+00> : vector<64x1xf32>
      %dot_general3A_84 = tpu.matmul %div3A_79, %get3A_82, %dot_general3A_83 {dimension_numbers = #tpu.dot_dimension_numbers<[1], [0], [0], [1], [0, 0, 1, 1], [], []>, transpose_lhs_hint = false} : vector<64x128xf32>, vector<128x1xf32>, vector<64x1xf32> -> vector<64x1xf32>
      %get3A_85 = arith.constant 0 : index
      %get3A_86 = arith.constant 0 : index
      %get3A_87 = vector.load %arg9[%get3A_85, %get3A_86] : memref<1x1xf32, #tpu.memory_space<vmem>>, vector<1x1xf32>
      %add3A_88 = vector.broadcast %get3A_87 : vector<1x1xf32> to vector<64x1xf32>
      %add3A_89 = arith.addf %dot_general3A_84, %add3A_88 : vector<64x1xf32>
      %swap3A_90 = arith.constant 0 : index
      %swap3A_91 = arith.constant 0 : index
      %swap3A_92 = vector.load %arg10[%swap3A_90, %swap3A_91] : memref<64x1xf32, #tpu.memory_space<vmem>>, vector<64x1xf32>
      tpu.vector_store %arg10[%swap3A_90, %swap3A_91], %add3A_89 {strides = array<i32>} : memref<64x1xf32, #tpu.memory_space<vmem>>, vector<64x1xf32>,
    } else {
    }
    return
  }
  func.func @transform_0(%arg0: i32) -> (i32, i32) {
    %c0_i32 = arith.constant 0 : i32
    %c0_i32_0 = arith.constant 0 : i32
    return %arg0, %c0_i32 : i32, i32
  }
  func.func @transform_1(%arg0: i32) -> (i32, i32, i32) {
    %c0_i32 = arith.constant 0 : i32
    %c0_i32_0 = arith.constant 0 : i32
    %c0_i32_1 = arith.constant 0 : i32
    return %c0_i32, %arg0, %c0_i32_0 : i32, i32, i32
  }
  func.func @transform_2(%arg0: i32) -> (i32, i32) {
    %c0_i32 = arith.constant 0 : i32
    %c0_i32_0 = arith.constant 0 : i32
    %c0_i32_1 = arith.constant 0 : i32
    return %c0_i32, %c0_i32_0 : i32, i32
  }
  func.func @transform_3(%arg0: i32) -> (i32, i32) {
    %c0_i32 = arith.constant 0 : i32
    %c0_i32_0 = arith.constant 0 : i32
    %c0_i32_1 = arith.constant 0 : i32
    return %c0_i32, %c0_i32_0 : i32, i32
  }
  func.func @transform_4(%arg0: i32) -> (i32, i32) {
    %c0_i32 = arith.constant 0 : i32
    %c0_i32_0 = arith.constant 0 : i32
    %c0_i32_1 = arith.constant 0 : i32
    return %c0_i32, %c0_i32_0 : i32, i32
  }
  func.func @transform_5(%arg0: i32) -> (i32, i32) {
    %c0_i32 = arith.constant 0 : i32
    %c0_i32_0 = arith.constant 0 : i32
    %c0_i32_1 = arith.constant 0 : i32
    return %c0_i32, %c0_i32_0 : i32, i32
  }
  func.func @transform_6(%arg0: i32) -> (i32, i32, i32) {
    %c0_i32 = arith.constant 0 : i32
    %c0_i32_0 = arith.constant 0 : i32
    %c0_i32_1 = arith.constant 0 : i32
    return %arg0, %c0_i32, %c0_i32_0 : i32, i32, i32
  }
  func.func @transform_7(%arg0: i32) -> (i32, i32) {
    %c0_i32 = arith.constant 0 : i32
    %c0_i32_0 = arith.constant 0 : i32
    %c0_i32_1 = arith.constant 0 : i32
    return %c0_i32, %c0_i32_0 : i32, i32
  }
  func.func @transform_8(%arg0: i32) -> (i32, i32) {
    %c0_i32 = arith.constant 0 : i32
    %c0_i32_0 = arith.constant 0 : i32
    %c0_i32_1 = arith.constant 0 : i32
    return %c0_i32, %c0_i32_0 : i32, i32
  }
  func.func @transform_9(%arg0: i32) -> (i32, i32) {
    %c0_i32 = arith.constant 0 : i32
    %c0_i32_0 = arith.constant 0 : i32
    %c0_i32_1 = arith.constant 0 : i32
    return %c0_i32, %c0_i32_0 : i32, i32
  }
}

</mosaic_0001>

<sc_bundles>
// kernel: kernel.6.cloned.1.call-start
scs
__scs_entry_jumppad:
0x0: {  	(pc) =	sbr.rel $0x88, $3  }
0x1: {  	(tag) =	ssettag $0x0;
	lr =	simm.s32 $0x1  }
0x2: {  	[smem:$0x3F94] =	sst lr;
	_ =	strace $0xD0000000  }
0x3: {  	_ = 	snop  }
0x4: {  	_ = 	snop  }
0x5: {  	_ = 	snop  }
0x6: {  	_ = 	snop  }
0x7: {  	_ = 	snop  }
__scs_overlays_trampoline_lowered:
0x8: {  	[smem:$0x3FA3] =	sst s0  }
0x9: {  	[smem:$0x3FA4] =	sst s1  }
0xa: {  	[smem:$0x3FA5] =	sst s2  }
0xb: {  	[smem:$0x3FA6] =	sst s3  }
0xc: {  	[smem:$0x3FA7] =	sst s4  }
0xd: {  	[smem:$0x3FA8] =	sst s5  }
0xe: {  	[smem:$0x3FA9] =	sst s6  }
0xf: {  	[smem:$0x3FAA] =	sst s7  }
0x10: {  	[smem:$0x3FAB] =	sst s8  }
0x11: {  	[smem:$0x3FAC] =	sst s9;
	s0 =	simm.s32 @!p0 $0x0  }
0x12: {  	s1 =	sld [smem:$0x3F92];
	s0 =	simm.s32 @p0 $0x1  }
0x13: {  	[smem:$0x3FAD] =	sst s0;
	s0 =	simm.s32 @!p1 $0x0  }
0x14: {  	s2 =	sld [smem:$0x3F91];
	s0 =	simm.s32 @p1 $0x1  }
0x15: {  	[smem:$0x3FAE] =	sst s0;
	s0 =	simm.s32 @!p2 $0x0  }
0x16: {  	s3 =	sld [smem:$0x3FDB];
	s0 =	simm.s32 @p2 $0x1  }
0x17: {  	s4 =	simm.s32 $0x1BF5;
	[smem:$0x3FB0] =	sst s0  }
0x18: {  	s0 =	sld [smem:$0x3F93];
	_ =	swait.ge [sflag:s4], $0x0  }
0x19: {  	s7 =	sld [smem:$0x3F94]  }
0x1a: {  	s8 =	sadd.s32 $0xFFFFE003, lr  }
0x1b: {  	s9 =	sadd.s32 $0xFFFFFEF7, lr;
	s5 =	simm.s32 $0xFFFFFFFF;
	p2 =	slt.u32 s8, $0xFFFFF086  }
0x1c: {  	p1 =	slt.u32 s9, $0xF7A;
	s5 =	simm.s32 @!p2 $0x0  }
0x1d: {  	s5 =	simm.s32 @p1 $0x1;
	p0 =	seq.s32 s7, s2  }
0x1e: {  	s7 =	smul.u32 @!p0 $0xF7A, s2;
	p2 =	seq.s32 @!p0 s5, $0x0  }
0x1f: {  	s9 =	smul.u32 $0xF7A, s1;
	s8 =	simm.s32 @!p0 $0x1BF5;
	p2 =	por !p2, p0  }
0x20: {  	[sflag:s8] =	ssyncset.s32 @!p0 $0xFFFFF086;
	s6 =	sadd.s32 @!p0 s3, s7;
	s7 =	simm.s32 @!p0 $0x108  }
0x21: {  	s3 =	sadd.s32 s3, s9;
	s6 =	sadd.s32 @!p0 $0x88, s6;
	s7 =	simm.s32 @p2 $0x1082  }
0x22: {  	[simem:s7], [sflag:s8] =	dma.local @!p0 [hbm:s6], $0xF7A  }
0x23: {  	s9 =	sor.u32 $0xD0000000, s2;
	s6 =	simm.s32 $0x108;
	_ =	swait.ge @!p0 [sflag:s8], $0x0  }
0x24: {  	s3 =	sadd.s32 $0x88, s3;
	s6 =	simm.s32 @!p1 $0x1082;
	[sflag:s4] =	ssyncset.s32 $0xFFFFF086  }
0x25: {  	[simem:s6], [sflag:s4] =	dma.local [hbm:s3], $0xF7A  }
0x26: {  	[smem:$0x3F94] =	sst s1;
	(tag) =	ssettag s2;
	_ =	strace s9  }
0x27: {  	s1 =	sld [smem:$0x3FA4]  }
0x28: {  	s2 =	sld [smem:$0x3FA5]  }
0x29: {  	s4 =	sld [smem:$0x3FA7]  }
0x2a: {  	p0 =	seq.s32 s5, $0x0;
	s5 =	sld [smem:$0x3FA8]  }
0x2b: {  	s6 =	sld [smem:$0x3FA9]  }
0x2c: {  	s7 =	sld [smem:$0x3FAA]  }
0x2d: {  	s3 =	simm.s32 $0x108;
	s8 =	sld [smem:$0x3FAB]  }
0x2e: {  	s3 =	simm.s32 @!p0 $0x1082;
	s9 =	sld [smem:$0x3FAC]  }
0x2f: {  	lr =	sadd.s32 s0, s3;
	s0 =	sld [smem:$0x3FA3]  }
0x30: {  	s3 =	sld [smem:$0x3FA6]  }
0x31: {  	[smem:$0x3FAF] =	sst s10  }
0x32: {  	s10 =	sld [smem:$0x3FAD];
	_ =	sdelay $0x3  }
0x33: {  	p0 =	seq.s32 s10, $0x1;
	s10 =	sld [smem:$0x3FAF];
	_ =	sdelay $0x3  }
0x34: {  	[smem:$0x3FAF] =	sst s10  }
0x35: {  	s10 =	sld [smem:$0x3FAE];
	_ =	sdelay $0x3  }
0x36: {  	p1 =	seq.s32 s10, $0x1;
	s10 =	sld [smem:$0x3FAF];
	_ =	sdelay $0x3  }
0x37: {  	[smem:$0x3FAF] =	sst s10  }
0x38: {  	s10 =	sld [smem:$0x3FB0]  }
0x39: {  	_ = 	snop;
	(pc) =	sbr.ind lr, $3  }
0x3a: {  	_ = 	snop  }
0x3b: {  	_ = 	snop  }
0x3c: {  	p2 =	seq.s32 s10, $0x1;
	s10 =	sld [smem:$0x3FAF]  }
0x3d: {  	_ =	shalt  }
0x3e: {  	_ =	shalt  }
0x3f: {  	_ =	shalt  }
0x40: {  	_ =	shalt  }
0x41: {  	_ =	shalt  }
0x42: {  	_ =	shalt  }
0x43: {  	_ =	shalt  }
0x44: {  	_ =	shalt  }
0x45: {  	_ =	shalt  }
0x46: {  	_ =	shalt  }
0x47: {  	_ =	shalt  }
0x48: {  	_ =	shalt  }
0x49: {  	_ =	shalt  }
0x4a: {  	_ =	shalt  }
0x4b: {  	_ =	shalt  }
0x4c: {  	_ =	shalt  }
0x4d: {  	_ =	shalt  }
0x4e: {  	_ =	shalt  }
0x4f: {  	_ =	shalt  }
0x50: {  	_ =	shalt  }
0x51: {  	_ =	shalt  }
0x52: {  	_ =	shalt  }
0x53: {  	_ =	shalt  }
0x54: {  	_ =	shalt  }
0x55: {  	_ =	shalt  }
0x56: {  	_ =	shalt  }
0x57: {  	_ =	shalt  }
0x58: {  	_ =	shalt  }
0x59: {  	_ =	shalt  }
0x5a: {  	_ =	shalt  }
0x5b: {  	_ =	shalt  }
0x5c: {  	_ =	shalt  }
0x5d: {  	_ =	shalt  }
0x5e: {  	_ =	shalt  }
0x5f: {  	_ =	shalt  }
0x60: {  	_ =	shalt  }
0x61: {  	_ =	shalt  }
0x62: {  	_ =	shalt  }
0x63: {  	_ =	shalt  }
0x64: {  	_ =	shalt  }
0x65: {  	_ =	shalt  }
0x66: {  	_ =	shalt  }
0x67: {  	_ =	shalt  }
0x68: {  	_ =	shalt  }
0x69: {  	_ =	shalt  }
0x6a: {  	_ =	shalt  }
0x6b: {  	_ =	shalt  }
0x6c: {  	_ =	shalt  }
0x6d: {  	_ =	shalt  }
0x6e: {  	_ =	shalt  }
0x6f: {  	_ =	shalt  }
0x70: {  	_ =	shalt  }
0x71: {  	_ =	shalt  }
0x72: {  	_ =	shalt  }
0x73: {  	_ =	shalt  }
0x74: {  	_ =	shalt  }
0x75: {  	_ =	shalt  }
0x76: {  	_ =	shalt  }
0x77: {  	_ =	shalt  }
0x78: {  	_ =	shalt  }
0x79: {  	_ =	shalt  }
0x7a: {  	_ =	shalt  }
0x7b: {  	_ =	shalt  }
0x7c: {  	_ =	shalt  }
0x7d: {  	_ =	shalt  }
0x7e: {  	_ =	shalt  }
0x7f: {  	_ =	shalt  }
0x80: {  	_ =	shalt  }
0x81: {  	_ =	shalt  }
0x82: {  	_ =	shalt  }
0x83: {  	_ =	shalt  }
0x84: {  	_ =	shalt  }
0x85: {  	_ =	shalt  }
0x86: {  	_ =	shalt  }
0x87: {  	_ =	shalt  }
.Lfunc_end0:
.L_simem_size_0:
called_computation_lowered:
.L_overlay_start_0:
0x88: {  	s2 =	sld [smem:$0x3FD9]  }
0x89: {  	s3 =	sld [smem:$0x3FFE];
	_ =	sdelay $0x1  }
0x8a: {  	s1 =	srdreg.scid  }
0x8b: {  	s0 =	sand.u32 $0x1, s1  }
0x8c: {  	s17 =	sshll.u32 s0, $0xA;
	s2 =	sadd.s32 s3, s2  }
0x8d: {  	s2 =	sadd.s32 s2, s17  }
0x8e: {  	[smem:$0x3FBB] =	sst s2  }
0x8f: {  	_ = 	snop  }
0x90: {  	s2 =	sld [smem:$0x3FC9];
	(tm) =	ssettm $0x1  }
0x91: {  	s18 =	sld [smem:$0x3FFB];
	_ =	sdelay $0x3  }
0x92: {  	_ =	strace s18  }
0x93: {  	s3 =	sld [smem:$0x3FFC];
	_ =	sdelay $0x3  }
0x94: {  	_ =	strace s3  }
0x95: {  	s3 =	sld [smem:$0x3FFD];
	_ =	sdelay $0x3  }
0x96: {  	_ =	strace s3  }
0x97: {  	_ =	strace $0x8FFFFFFF  }
0x98: {  	s19 =	sld [smem:$0x3FDB];
	_ =	sdelay $0x1  }
0x99: {  	s4 =	simm.s32 $_scs_section_size  }
0x9a: {  	s5 =	simm.s32 $_size__tile_overlayer_lowered;
	s6 =	simm.s32 $_tile_overlayer_lowered  }
0x9b: {  	s22 =	simm.s32 $0x1BFF;
	s21 =	sshll.u32 s6, $0x1;
	s3 =	sadd.s32 s4, s19  }
0x9c: {  	s7 =	simm.s32 $0x0;
	s20 =	sshll.u32 s5, $0x1;
	s5 =	sadd.s32 s21, s3  }
0x9d: {  	[timem:s7], [sflag:s22] =	dma.local [hbm:s5], s20  }
0x9e: {  	_ =	swait.ge [sflag:s22], s20  }
0x9f: {  	s4 =	ssub.s32 $0x0, s20;
	[sflag:s22] =	ssyncset.done $0x0  }
0xa0: {  	[sflag:s22] =	ssyncadd.s32 s4;
	_ =	sdelay $0x1  }
0xa1: {  	s23 =	simm.s32 $0x1B8B  }
0xa2: {  	_ =	swait.ge [sflag:s23], $0x1  }
0xa3: {  	[sflag:s23] =	ssyncset.done $0x0  }
0xa4: {  	s25 =	simm.s32 $0x1B8E;
	s24 =	sld [smem:$0x3FFE];
	[sflag:s23] =	ssyncadd.s32 $0xFFFFFFFF  }
0xa5: {  	s26 =	simm.s32 $execute0_lowered;
	[smem:$0x3FD2] =	sst s25  }
0xa6: {  	s5 =	sshll.u32 s26, $0x1;
	_ =	strace $0x80000046;
	[dreg:$0x1] =	wrdreg $0xFFFFFFFF  }
0xa7: {  	s28 =	simm.s32 $_size_execute0_lowered;
	s3 =	sadd.s32 s3, s5;
	[dreg:$0x0] =	wrdreg $0x0  }
0xa8: {  	s5 =	sshll.u32 s28, $0x1;
	[dreg:$0x2] =	wrdreg s3  }
0xa9: {  	[dreg:$0x3] =	wrdreg s5  }
0xaa: {  	[dreg:$0x4] =	wrdreg $0xC0  }
0xab: {  	_ =	task [dreg:s7], $0x5FFFF  }
0xac: {  	[dreg:$0x1] =	wrdreg $0xFFFFFFFF  }
0xad: {  	[dreg:$0x0] =	wrdreg $0x60  }
0xae: {  	[dreg:$0x2] =	wrdreg s2  }
0xaf: {  	[dreg:$0x3] =	wrdreg s24  }
0xb0: {  	[dreg:$0x4] =	wrdreg $0xB7800  }
0xb1: {  	[dreg:$0x5] =	wrdreg $0x9  }
0xb2: {  	_ =	task.clear_ibuf [dreg:s7], $0x6FFFF;
	_ =	strace $0x90000046  }
0xb3: {  	s29 =	simm.s32 $0x9;
	_ =	strace $0x80000048  }
0xb4: {  	_ =	swait.ge [sflag:s29], $0x1  }
0xb5: {  	[sflag:s29] =	ssyncadd.s32 $0xFFFFFFFF  }
0xb6: {  	_ =	strace $0x90000048  }
0xb7: {  	_ =	sfence  }
0xb8: {  	s30 =	sld [smem:$0x0];
	_ =	sdelay $0x2  }
0xb9: {  	s31 =	sshll.u32 s1, $0xD;
	s1 =	sshrl.u32 s1, $0x2  }
0xba: {  	s3 =	sand.u32 $0x4000, s31;
	s1 =	sadd.s32 s1, s30  }
0xbb: {  	s0 =	sor.u32 s3, s0;
	s1 =	sshll.u32 s1, $0x11  }
0xbc: {  	s0 =	sor.u32 s1, s0  }
0xbd: {  	s0 =	sadd.s32 $0x8F2B, s0  }
0xbe: {  	[sflag:s0] =	ssyncadd.remote.s32 $0x1  }
0xbf: {  	_ =	sfence.sel $0xFFFF  }
0xc0: {  	[dreg:$0x0] =	wrdreg $0xFFFFFFFF;
	(pc) =	sbr.abs _section_cstart, $3  }
0xc1: {  	[dreg:$0x1] =	wrdreg $0xFFFFFFFF  }
0xc2: {  	_ =	task.clear_ibuf [dreg:s7], $0x2FFFF;
	_ =	strace $0x9FFFFFFF  }
0xc3: {  	(tm) =	ssettm $0x7FFFFFFF  }
tec
execute0_lowered:
.L_overlay_start_1:
0x0: {  	(tag) =	ssettag $0x1  }
0x1: {  	s1 =	rddreg [dreg:$0x0]  }
0x2: {  	s0 =	srdreg.scid;
	s2 =	rddreg [dreg:$0x1]  }
0x3: {  	s8 =	stileid.u32;
	s3 =	rddreg [dreg:$0x2]  }
0x4: {  	s6 =	simm.s32 $0x0;
	s28 =	simm.s32 $0x1;
	s29 =	simm.s32 $0x2  }
0x5: {  	s30 =	simm.s32 $0x50;
	s31 =	simm.s32 $0x6780;
	s15 =	smul.u32 $0x14000, s8  }
0x6: {  	s0 =	sand.u32 $0x1, s0;
	s4 =	sshll.u32 s8, $0x1;
	s9 =	smul.u32 $0x50000, s8  }
0x7: {  	[smem:$0x7FF] =	sst s6;
	s4 =	sor.u32 s0, s4;
	s21 =	smul.u32 $0x140000, s0  }
0x8: {  	_ =	strace $0x80000047;
	s0 =	ssub.s32 $0x2, s0;
	s5 =	smul.u32 $0x4E2, s4  }
0x9: {  	s4 =	sshll.u32 s4, $0xB;
	s24 =	sshrl.u32 s0, $0x1;
	s26 =	sshrl.u32 s9, $0x2  }
0xa: {  	s18 =	sadd.s32 $0x7800, s15;
	s19 =	sadd.s32 $0xA000, s15;
	s22 =	sadd.s32 $0xC800, s15  }
0xb: {  	s23 =	sadd.s32 $0xF000, s15;
	s4 =	sadd.s32 s4, s2;
	s0 =	ssub.s32 s0, s24  }
0xc: {  	s7 =	sadd.s32 s21, s15;
	s9 =	sadd.s32 s26, s3;
	s12 =	sadd.s32 s18, s3  }
0xd: {  	s13 =	sadd.s32 s19, s3;
	s14 =	sadd.s32 s22, s3;
	s24 =	sadd.s32 $0x11800, s15  }
0xe: {  	s18 =	sadd.s32 s21, s18;
	s20 =	sadd.s32 s21, s19;
	s22 =	sadd.s32 s21, s22  }
0xf: {  	s5 =	sadd.s32 s5, s2;
	s2 =	sadd.s32 $0x1BC00, s2;
	s4 =	sadd.s32 $0xBC00, s4  }
0x10: {  	s25 =	sshrl.u32 s7, $0x3;
	s8 =	smax.u32 s0, $0x1;
	s16 =	sadd.s32 s24, s3  }
0x11: {  	s20 =	sshrl.u32 s20, $0x3;
	s5 =	sadd.s32 $0x1E00, s5;
	[dreg:$0x5] =	wrdreg s4  }
0x12: {  	s7 =	sadd.s32 s2, s25;
	s4 =	sor.u32 $0x2800, s15;
	s20 =	sadd.s32 s2, s20  }
0x13: {  	s25 =	sadd.s32 s21, s23;
	[dreg:$0x4] =	wrdreg s5;
	s5 =	sadd.s32 $0x5000, s15  }
0x14: {  	s10 =	sadd.s32 s4, s3;
	s0 =	sadd.s32 s21, s4;
	s15 =	sadd.s32 s23, s3  }
0x15: {  	s4 =	sshrl.u32 s18, $0x3;
	s11 =	sadd.s32 s5, s3;
	s0 =	sshrl.u32 s0, $0x3  }
0x16: {  	s6 =	sadd.s32 s21, s5;
	s19 =	sadd.s32 s2, s4;
	s21 =	sadd.s32 s21, s24  }
0x17: {  	s4 =	sshrl.u32 s25, $0x3;
	s17 =	sadd.s32 s2, s0;
	s0 =	sshrl.u32 s6, $0x3  }
0x18: {  	s25 =	simm.s32 $0x8F80;
	s26 =	sshrl.u32 s21, $0x3;
	s18 =	sadd.s32 s2, s0  }
0x19: {  	s0 =	sshrl.u32 s22, $0x3;
	s22 =	sadd.s32 s2, s4;
	s23 =	sadd.s32 s2, s26  }
0x1a: {  	v0 =	vimm.f32 $0.0e+00;
	s26 =	simm.s32 $0x3;
	s21 =	sadd.s32 s2, s0;
	s0 =	simm.s32 $0x0  }
.LBB2_1:
0x1b: {  	s2 =	simm.s32 $0x0;
	s4 =	rddreg [dreg:$0x4]  }
0x1c: {  	[tilespmem:s2], [sflag:$0x1] =	stream.linear.gather [hbm4b:s4+s2], $0x2710, $0x38;
	[tilespmem:$0x1F780] =	vst v63  }
0x1d: {  	s24 =	rddreg [dreg:$0x5];
	s5 =	simm.s32 $0x2780  }
0x1e: {  	[tilespmem:s5], [sflag:$0x2] =	stream.linear.gather [hbm4b:s24+s2], $0x3E80, $0x38;
	[tilespmem:$0x1F780] =	vst v63  }
0x1f: {  	s4 =	simm.s32 $0x200;
	s2 =	simm.s32 $0x0  }
.LBB2_2:
0x20: {  	p0 =	sne.s32 s4, $0x9E00;
	[tilespmem:s2+$0x8FF0] =	vst v0  }
0x21: {  	[tilespmem:s2+$0x8F80] =	vst v0  }
0x22: {  	[tilespmem:s2+$0x8F90] =	vst v0  }
.Ltmp0:
0x23: {  	[tilespmem:s2+$0x8FA0] =	vst v0;
	(pc) =	sbr.rel @p0 .LBB2_2-.Ltmp0, $4  }
0x24: {  	[tilespmem:s2+$0x8FB0] =	vst v0  }
0x25: {  	[tilespmem:s2+$0x8FC0] =	vst v0  }
0x26: {  	[tilespmem:s2+$0x8FD0] =	vst v0  }
0x27: {  	[tilespmem:s2+$0x8FE0] =	vst v0;
	s2 =	sshra.s32 s4, $0x2;
	s4 =	sadd.s32 $0x200, s4  }
0x28: {  	[tilespmem:s2+$0x8FF0] =	vst v0  }
0x29: {  	[tilespmem:s2+$0x8F80] =	vst v0  }
0x2a: {  	[tilespmem:s2+$0x8F90] =	vst v0  }
0x2b: {  	[tilespmem:s2+$0x8FA0] =	vst v0  }
0x2c: {  	[tilespmem:s2+$0x8FB0] =	vst v0  }
0x2d: {  	[tilespmem:s2+$0x8FC0] =	vst v0  }
0x2e: {  	[tilespmem:s2+$0x8FD0] =	vst v0  }
0x2f: {  	[tilespmem:s2+$0x8FE0] =	vst v0  }
0x30: {  	[spmem:s9] =	stream.linear.scatter [tilespmem:s25], [sflag:$0x3], $0x2800, $0x38;
	[tilespmem:$0x1F780] =	vst v63  }
0x31: {  	_ =	swait.ge [sflag:s26], $0x2800  }
0x32: {  	[sflag:s26] =	ssyncset.done $0x0  }
0x33: {  	[sflag:s26] =	ssyncadd.s32 $0xFFFFD800  }
0x34: {  	[spmem:s10] =	stream.linear.scatter [tilespmem:s25], [sflag:$0x3], $0x2800, $0x38;
	[tilespmem:$0x1F780] =	vst v63  }
0x35: {  	_ =	swait.ge [sflag:s26], $0x2800  }
0x36: {  	[sflag:s26] =	ssyncset.done $0x0  }
0x37: {  	[sflag:s26] =	ssyncadd.s32 $0xFFFFD800  }
0x38: {  	[spmem:s11] =	stream.linear.scatter [tilespmem:s25], [sflag:$0x3], $0x2800, $0x38;
	[tilespmem:$0x1F780] =	vst v63  }
0x39: {  	_ =	swait.ge [sflag:s26], $0x2800  }
0x3a: {  	[sflag:s26] =	ssyncset.done $0x0  }
0x3b: {  	[sflag:s26] =	ssyncadd.s32 $0xFFFFD800  }
0x3c: {  	[spmem:s12] =	stream.linear.scatter [tilespmem:s25], [sflag:$0x3], $0x2800, $0x38;
	[tilespmem:$0x1F780] =	vst v63  }
0x3d: {  	_ =	swait.ge [sflag:s26], $0x2800  }
0x3e: {  	[sflag:s26] =	ssyncset.done $0x0  }
0x3f: {  	[sflag:s26] =	ssyncadd.s32 $0xFFFFD800  }
0x40: {  	[spmem:s13] =	stream.linear.scatter [tilespmem:s25], [sflag:$0x3], $0x2800, $0x38;
	[tilespmem:$0x1F780] =	vst v63  }
0x41: {  	_ =	swait.ge [sflag:s26], $0x2800  }
0x42: {  	[sflag:s26] =	ssyncset.done $0x0  }
0x43: {  	[sflag:s26] =	ssyncadd.s32 $0xFFFFD800  }
0x44: {  	[spmem:s14] =	stream.linear.scatter [tilespmem:s25], [sflag:$0x3], $0x2800, $0x38;
	[tilespmem:$0x1F780] =	vst v63  }
0x45: {  	_ =	swait.ge [sflag:s26], $0x2800  }
0x46: {  	[sflag:s26] =	ssyncset.done $0x0  }
0x47: {  	[sflag:s26] =	ssyncadd.s32 $0xFFFFD800  }
0x48: {  	[spmem:s15] =	stream.linear.scatter [tilespmem:s25], [sflag:$0x3], $0x2800, $0x38;
	[tilespmem:$0x1F780] =	vst v63  }
0x49: {  	_ =	swait.ge [sflag:s26], $0x2800  }
0x4a: {  	[sflag:s26] =	ssyncset.done $0x0  }
0x4b: {  	[sflag:s26] =	ssyncadd.s32 $0xFFFFD800  }
0x4c: {  	[spmem:s16] =	stream.linear.scatter [tilespmem:s25], [sflag:$0x3], $0x2800, $0x38;
	[tilespmem:$0x1F780] =	vst v63  }
0x4d: {  	_ =	swait.ge [sflag:s26], $0x2800  }
0x4e: {  	[sflag:s26] =	ssyncset.done $0x0  }
0x4f: {  	[sflag:s26] =	ssyncadd.s32 $0xFFFFD800  }
0x50: {  	_ =	swait.ge [sflag:s28], $0x2710  }
0x51: {  	[sflag:s28] =	ssyncset.done $0x0  }
0x52: {  	[sflag:s28] =	ssyncadd.s32 $0xFFFFD8F0  }
0x53: {  	_ =	swait.ge [sflag:s29], $0x3E80  }
0x54: {  	[sflag:s29] =	ssyncset.done $0x0  }
0x55: {  	s4 =	simm.s32 $0x0;
	[sflag:s29] =	ssyncadd.s32 $0xFFFFC180  }
0x56: {  	[tilespmem:s31], [sflag:$0x1] =	stream.indirect.gather [hbm4b:s1+s30], $0x80, s4, s30, $0xb8;
	[tilespmem:$0x1F780] =	vst v63  }
0x57: {  	_ = 	snop  }
0x58: {  	[tilespmem:s25], [sflag:$0x2] =	stream.indirect.gather [hbm4b:s1+s30], $0x80, s30, s30, $0xb8;
	[tilespmem:$0x1F780] =	vst v63  }
0x59: {  	[bflag:$0x0] =	sbarrier.arrive $0xFFFF  }
0x5a: {  	_ =	swait.ge [sflag:s28], $0x2800  }
0x5b: {  	[sflag:s28] =	ssyncset.done $0x0  }
0x5c: {  	s5 =	simm.s32 $0x2780;
	[sflag:s28] =	ssyncadd.s32 $0xFFFFD800  }
0x5d: {  	[spmem:s3] =	stream.indirect.scatter.add.f32 [tilespmem:s31], [sflag:$0x3], $0x80, s5, s30, $0xb8;
	[tilespmem:$0x1F780] =	vst v63  }
0x5e: {  	_ =	swait.ge [sflag:s26], $0x2800  }
0x5f: {  	[sflag:s26] =	ssyncset.done $0x0  }
0x60: {  	s6 =	simm.s32 $0xA0;
	[sflag:s26] =	ssyncadd.s32 $0xFFFFD800  }
0x61: {  	[tilespmem:s31], [sflag:$0x1] =	stream.indirect.gather [hbm4b:s1+s30], $0x80, s6, s30, $0xb8;
	[tilespmem:$0x1F780] =	vst v63  }
0x62: {  	_ =	swait.ge [sflag:s29], $0x2800  }
0x63: {  	[sflag:s29] =	ssyncset.done $0x0  }
0x64: {  	s24 =	simm.s32 $0x2800;
	[sflag:s29] =	ssyncadd.s32 $0xFFFFD800  }
0x65: {  	[spmem:s3] =	stream.indirect.scatter.add.f32 [tilespmem:s25], [sflag:$0x3], $0x80, s24, s30, $0xb8;
	[tilespmem:$0x1F780] =	vst v63  }
0x66: {  	_ =	swait.ge [sflag:s26], $0x2800  }
0x67: {  	s2 =	simm.s32 $0x400;
	[sflag:s26] =	ssyncset.done $0x0  }
0x68: {  	s4 =	simm.s32 $0x190;
	s24 =	simm.s32 $0xF0;
	[sflag:s26] =	ssyncadd.s32 $0xFFFFD800  }
.LBB2_4:
0x69: {  	[tilespmem:s25], [sflag:$0x2] =	stream.indirect.gather [hbm4b:s1+s30], $0x80, s24, s30, $0xb8;
	[tilespmem:$0x1F780] =	vst v63  }
0x6a: {  	s5 =	smov.u32 s2;
	s24 =	smov.u32 s4  }
0x6b: {  	p0 =	sne.s32 s2, $0xF000;
	s2 =	sadd.s32 $0x400, s2;
	_ =	swait.ge [sflag:s28], $0x2800  }
0x6c: {  	s5 =	sshra.s32 s5, $0x2;
	[sflag:s28] =	ssyncset.done $0x0  }
0x6d: {  	s6 =	sadd.s32 $0x2780, s5;
	[sflag:s28] =	ssyncadd.s32 $0xFFFFD800  }
0x6e: {  	[spmem:s3] =	stream.indirect.scatter.add.f32 [tilespmem:s31], [sflag:$0x3], $0x80, s6, s30, $0xb8;
	[tilespmem:$0x1F780] =	vst v63  }
0x6f: {  	_ =	swait.ge [sflag:s26], $0x2800  }
0x70: {  	[sflag:s26] =	ssyncset.done $0x0  }
0x71: {  	s6 =	sadd.s32 $0xFFFFFFB0, s4;
	[sflag:s26] =	ssyncadd.s32 $0xFFFFD800  }
0x72: {  	[tilespmem:s31], [sflag:$0x1] =	stream.indirect.gather [hbm4b:s1+s30], $0x80, s6, s30, $0xb8;
	[tilespmem:$0x1F780] =	vst v63  }
0x73: {  	_ =	swait.ge [sflag:s29], $0x2800  }
0x74: {  	[sflag:s29] =	ssyncset.done $0x0  }
.Ltmp1:
0x75: {  	s5 =	sadd.s32 $0x2800, s5;
	[sflag:s29] =	ssyncadd.s32 $0xFFFFD800;
	(pc) =	sbr.rel @p0 .LBB2_4-.Ltmp1, $4  }
0x76: {  	[spmem:s3] =	stream.indirect.scatter.add.f32 [tilespmem:s25], [sflag:$0x3], $0x80, s5, s30, $0xb8;
	[tilespmem:$0x1F780] =	vst v63  }
0x77: {  	_ =	swait.ge [sflag:s26], $0x2800  }
0x78: {  	[sflag:s26] =	ssyncset.done $0x0  }
0x79: {  	s4 =	sadd.s32 $0xA0, s4;
	[sflag:s26] =	ssyncadd.s32 $0xFFFFD800  }
0x7a: {  	[tilespmem:s25], [sflag:$0x2] =	stream.indirect.gather [hbm4b:s1+s30], $0x80, s24, s30, $0xb8;
	[tilespmem:$0x1F780] =	vst v63  }
0x7b: {  	_ =	swait.ge [sflag:s28], $0x2800  }
0x7c: {  	[sflag:s28] =	ssyncset.done $0x0  }
0x7d: {  	s2 =	simm.s32 $0x6480;
	[sflag:s28] =	ssyncadd.s32 $0xFFFFD800  }
0x7e: {  	[spmem:s3] =	stream.indirect.scatter.add.f32 [tilespmem:s31], [sflag:$0x3], $0x80, s2, s30, $0xb8;
	[tilespmem:$0x1F780] =	vst v63  }
0x7f: {  	_ =	swait.ge [sflag:s26], $0x2800  }
0x80: {  	[sflag:s26] =	ssyncset.done $0x0  }
0x81: {  	s24 =	simm.s32 $0x26C0;
	[sflag:s26] =	ssyncadd.s32 $0xFFFFD800  }
0x82: {  	[tilespmem:s31], [sflag:$0x1] =	stream.indirect.gather [hbm4b:s1+s30], $0x80, s24, s30, $0xb8;
	[tilespmem:$0x1F780] =	vst v63  }
0x83: {  	_ =	swait.ge [sflag:s29], $0x2800  }
0x84: {  	[sflag:s29] =	ssyncset.done $0x0  }
0x85: {  	s4 =	simm.s32 $0x6500;
	[sflag:s29] =	ssyncadd.s32 $0xFFFFD800  }
0x86: {  	[spmem:s3] =	stream.indirect.scatter.add.f32 [tilespmem:s25], [sflag:$0x3], $0x80, s4, s30, $0xb8;
	[tilespmem:$0x1F780] =	vst v63  }
0x87: {  	_ =	swait.ge [sflag:s26], $0x2800  }
0x88: {  	[sflag:s26] =	ssyncset.done $0x0  }
0x89: {  	[sflag:s26] =	ssyncadd.s32 $0xFFFFD800  }
0x8a: {  	_ =	swait.ge [sflag:s28], $0x2800  }
0x8b: {  	[sflag:s28] =	ssyncset.done $0x0  }
0x8c: {  	s5 =	simm.s32 $0x6580;
	[sflag:s28] =	ssyncadd.s32 $0xFFFFD800  }
0x8d: {  	[spmem:s3] =	stream.indirect.scatter.add.f32 [tilespmem:s31], [sflag:$0x3], $0x80, s5, s30, $0xb8;
	[tilespmem:$0x1F780] =	vst v63  }
0x8e: {  	_ =	swait.ge [sflag:s26], $0x2800  }
0x8f: {  	s6 =	stileid.u32;
	[sflag:s26] =	ssyncset.done $0x0  }
0x90: {  	s2 =	sshll.u32 s6, $0x6;
	[sflag:s26] =	ssyncadd.s32 $0xFFFFD800  }
0x91: {  	s2 =	sor.u32 $0x1C03, s2;
	s4 =	sshrl.u32 s9, $0x3;
	[bflag:$0x0] =	sbarrier.arrive $0xFFFF  }
0x92: {  	[hbm:s7], [sflag:s2] =	dma.local [spmem:s4], $0x500  }
0x93: {  	_ =	swait.ge [sflag:s26], $0x500  }
0x94: {  	[sflag:s26] =	ssyncset.done $0x0  }
0x95: {  	s24 =	sshrl.u32 s10, $0x3;
	[sflag:s26] =	ssyncadd.s32 $0xFFFFFB00  }
0x96: {  	[hbm:s17], [sflag:s2] =	dma.local [spmem:s24], $0x500  }
0x97: {  	_ =	swait.ge [sflag:s26], $0x500  }
0x98: {  	[sflag:s26] =	ssyncset.done $0x0  }
0x99: {  	s5 =	sshrl.u32 s11, $0x3;
	[sflag:s26] =	ssyncadd.s32 $0xFFFFFB00  }
0x9a: {  	[hbm:s18], [sflag:s2] =	dma.local [spmem:s5], $0x500  }
0x9b: {  	_ =	swait.ge [sflag:s26], $0x500  }
0x9c: {  	[sflag:s26] =	ssyncset.done $0x0  }
0x9d: {  	s6 =	sshrl.u32 s12, $0x3;
	[sflag:s26] =	ssyncadd.s32 $0xFFFFFB00  }
0x9e: {  	[hbm:s19], [sflag:s2] =	dma.local [spmem:s6], $0x500  }
0x9f: {  	_ =	swait.ge [sflag:s26], $0x500  }
0xa0: {  	[sflag:s26] =	ssyncset.done $0x0  }
0xa1: {  	s24 =	sshrl.u32 s13, $0x3;
	[sflag:s26] =	ssyncadd.s32 $0xFFFFFB00  }
0xa2: {  	[hbm:s20], [sflag:s2] =	dma.local [spmem:s24], $0x500  }
0xa3: {  	_ =	swait.ge [sflag:s26], $0x500  }
0xa4: {  	[sflag:s26] =	ssyncset.done $0x0  }
0xa5: {  	s5 =	sshrl.u32 s14, $0x3;
	[sflag:s26] =	ssyncadd.s32 $0xFFFFFB00  }
0xa6: {  	[hbm:s21], [sflag:s2] =	dma.local [spmem:s5], $0x500  }
0xa7: {  	_ =	swait.ge [sflag:s26], $0x500  }
0xa8: {  	[sflag:s26] =	ssyncset.done $0x0  }
0xa9: {  	s6 =	sshrl.u32 s15, $0x3;
	[sflag:s26] =	ssyncadd.s32 $0xFFFFFB00  }
0xaa: {  	[hbm:s22], [sflag:s2] =	dma.local [spmem:s6], $0x500  }
0xab: {  	s0 =	sadd.s32 $0x1, s0;
	_ =	swait.ge [sflag:s26], $0x500  }
0xac: {  	p0 =	sne.s32 s0, s8;
	[sflag:s26] =	ssyncset.done $0x0  }
.Ltmp2:
0xad: {  	s24 =	sshrl.u32 s16, $0x3;
	[sflag:s26] =	ssyncadd.s32 $0xFFFFFB00;
	(pc) =	sbr.rel @p0 .LBB2_1-.Ltmp2, $4  }
0xae: {  	[hbm:s23], [sflag:s2] =	dma.local [spmem:s24], $0x500  }
0xaf: {  	_ =	swait.ge [sflag:s26], $0x500  }
0xb0: {  	[sflag:s26] =	ssyncset.done $0x0  }
0xb1: {  	[sflag:s26] =	ssyncadd.s32 $0xFFFFFB00  }
0xb2: {  	_ =	sfence.sel $0x180000  }
0xb3: {  	[bflag:$0x0] =	sbarrier.arrive $0xFFFF  }
0xb4: {  	_ =	strace $0x90000047  }
0xb5: {  	s0 =	stileid.u32;
	[bflag:$0x2] =	sbarrier.arrive $0xFFFF  }
0xb6: {  	p0 =	sne.s32 s0, $0x0;
	s0 =	rddreg [dreg:$0x3]  }
0xb7: {  	s0 =	sadd.s32 @!p0 $0x100000, s0  }
0xb8: {  	[sflag:s0] =	ssyncadd.tile.s32 @!p0 $0x1;
	_ =	shalt  }
.Lfunc_end2:
_tile_overlayer_lowered:
.L_overlay_start_2:
0xb9: {  	(tag) =	ssettag $0x2  }
0xba: {  	s0 =	rddreg [dreg:$0x0];
	s2 =	stileid.u32  }
0xbb: {  	s1 =	rddreg [dreg:$0x1];
	p0 =	sne.s32 s2, $0x0  }
0xbc: {  	s3 =	rddreg [dreg:$0x2];
	[bflag:$0x3] =	sbarrier.arrive $0xFFFF;
	s2 =	simm.s32 @!p0 $0x1C03  }
0xbd: {  	[timem:s3], [sflag:s2] =	dma.local @!p0 [hbm:s0], s1  }
0xbe: {  	s0 =	simm.s32 @!p0 $0x3  }
0xbf: {  	_ =	swait.ge @!p0 [sflag:s0], s1  }
0xc0: {  	s1 =	ssub.s32 @!p0 $0x0, s1;
	[sflag:s0] =	ssyncset.done @!p0 $0x0  }
0xc1: {  	[sflag:s0] =	ssyncadd.s32 @!p0 s1  }
0xc2: {  	[bflag:$0x3] =	sbarrier.arrive $0xFFFF  }
0xc3: {  	_ =	shalt  }

// kernel: kernel.9.cloned.1.call-start
scs
__scs_entry_jumppad:
0x0: {  	(pc) =	sbr.rel $0x88, $3  }
0x1: {  	(tag) =	ssettag $0x0;
	lr =	simm.s32 $0x1  }
0x2: {  	[smem:$0x3F94] =	sst lr;
	_ =	strace $0xD0000000  }
0x3: {  	_ = 	snop  }
0x4: {  	_ = 	snop  }
0x5: {  	_ = 	snop  }
0x6: {  	_ = 	snop  }
0x7: {  	_ = 	snop  }
__scs_overlays_trampoline_lowered:
0x8: {  	[smem:$0x3FA3] =	sst s0  }
0x9: {  	[smem:$0x3FA4] =	sst s1  }
0xa: {  	[smem:$0x3FA5] =	sst s2  }
0xb: {  	[smem:$0x3FA6] =	sst s3  }
0xc: {  	[smem:$0x3FA7] =	sst s4  }
0xd: {  	[smem:$0x3FA8] =	sst s5  }
0xe: {  	[smem:$0x3FA9] =	sst s6  }
0xf: {  	[smem:$0x3FAA] =	sst s7  }
0x10: {  	[smem:$0x3FAB] =	sst s8  }
0x11: {  	[smem:$0x3FAC] =	sst s9;
	s0 =	simm.s32 @!p0 $0x0  }
0x12: {  	s1 =	sld [smem:$0x3F92];
	s0 =	simm.s32 @p0 $0x1  }
0x13: {  	[smem:$0x3FAD] =	sst s0;
	s0 =	simm.s32 @!p1 $0x0  }
0x14: {  	s2 =	sld [smem:$0x3F91];
	s0 =	simm.s32 @p1 $0x1  }
0x15: {  	[smem:$0x3FAE] =	sst s0;
	s0 =	simm.s32 @!p2 $0x0  }
0x16: {  	s3 =	sld [smem:$0x3FDB];
	s0 =	simm.s32 @p2 $0x1  }
0x17: {  	s4 =	simm.s32 $0x1BF5;
	[smem:$0x3FB0] =	sst s0  }
0x18: {  	s0 =	sld [smem:$0x3F93];
	_ =	swait.ge [sflag:s4], $0x0  }
0x19: {  	s7 =	sld [smem:$0x3F94]  }
0x1a: {  	s8 =	sadd.s32 $0xFFFFE003, lr  }
0x1b: {  	s9 =	sadd.s32 $0xFFFFFEF7, lr;
	s5 =	simm.s32 $0xFFFFFFFF;
	p2 =	slt.u32 s8, $0xFFFFF086  }
0x1c: {  	p1 =	slt.u32 s9, $0xF7A;
	s5 =	simm.s32 @!p2 $0x0  }
0x1d: {  	s5 =	simm.s32 @p1 $0x1;
	p0 =	seq.s32 s7, s2  }
0x1e: {  	s7 =	smul.u32 @!p0 $0xF7A, s2;
	p2 =	seq.s32 @!p0 s5, $0x0  }
0x1f: {  	s9 =	smul.u32 $0xF7A, s1;
	s8 =	simm.s32 @!p0 $0x1BF5;
	p2 =	por !p2, p0  }
0x20: {  	[sflag:s8] =	ssyncset.s32 @!p0 $0xFFFFF086;
	s6 =	sadd.s32 @!p0 s3, s7;
	s7 =	simm.s32 @!p0 $0x108  }
0x21: {  	s3 =	sadd.s32 s3, s9;
	s6 =	sadd.s32 @!p0 $0x88, s6;
	s7 =	simm.s32 @p2 $0x1082  }
0x22: {  	[simem:s7], [sflag:s8] =	dma.local @!p0 [hbm:s6], $0xF7A  }
0x23: {  	s9 =	sor.u32 $0xD0000000, s2;
	s6 =	simm.s32 $0x108;
	_ =	swait.ge @!p0 [sflag:s8], $0x0  }
0x24: {  	s3 =	sadd.s32 $0x88, s3;
	s6 =	simm.s32 @!p1 $0x1082;
	[sflag:s4] =	ssyncset.s32 $0xFFFFF086  }
0x25: {  	[simem:s6], [sflag:s4] =	dma.local [hbm:s3], $0xF7A  }
0x26: {  	[smem:$0x3F94] =	sst s1;
	(tag) =	ssettag s2;
	_ =	strace s9  }
0x27: {  	s1 =	sld [smem:$0x3FA4]  }
0x28: {  	s2 =	sld [smem:$0x3FA5]  }
0x29: {  	s4 =	sld [smem:$0x3FA7]  }
0x2a: {  	p0 =	seq.s32 s5, $0x0;
	s5 =	sld [smem:$0x3FA8]  }
0x2b: {  	s6 =	sld [smem:$0x3FA9]  }
0x2c: {  	s7 =	sld [smem:$0x3FAA]  }
0x2d: {  	s3 =	simm.s32 $0x108;
	s8 =	sld [smem:$0x3FAB]  }
0x2e: {  	s3 =	simm.s32 @!p0 $0x1082;
	s9 =	sld [smem:$0x3FAC]  }
0x2f: {  	lr =	sadd.s32 s0, s3;
	s0 =	sld [smem:$0x3FA3]  }
0x30: {  	s3 =	sld [smem:$0x3FA6]  }
0x31: {  	[smem:$0x3FAF] =	sst s10  }
0x32: {  	s10 =	sld [smem:$0x3FAD];
	_ =	sdelay $0x3  }
0x33: {  	p0 =	seq.s32 s10, $0x1;
	s10 =	sld [smem:$0x3FAF];
	_ =	sdelay $0x3  }
0x34: {  	[smem:$0x3FAF] =	sst s10  }
0x35: {  	s10 =	sld [smem:$0x3FAE];
	_ =	sdelay $0x3  }
0x36: {  	p1 =	seq.s32 s10, $0x1;
	s10 =	sld [smem:$0x3FAF];
	_ =	sdelay $0x3  }
0x37: {  	[smem:$0x3FAF] =	sst s10  }
0x38: {  	s10 =	sld [smem:$0x3FB0]  }
0x39: {  	_ = 	snop;
	(pc) =	sbr.ind lr, $3  }
0x3a: {  	_ = 	snop  }
0x3b: {  	_ = 	snop  }
0x3c: {  	p2 =	seq.s32 s10, $0x1;
	s10 =	sld [smem:$0x3FAF]  }
0x3d: {  	_ =	shalt  }
0x3e: {  	_ =	shalt  }
0x3f: {  	_ =	shalt  }
0x40: {  	_ =	shalt  }
0x41: {  	_ =	shalt  }
0x42: {  	_ =	shalt  }
0x43: {  	_ =	shalt  }
0x44: {  	_ =	shalt  }
0x45: {  	_ =	shalt  }
0x46: {  	_ =	shalt  }
0x47: {  	_ =	shalt  }
0x48: {  	_ =	shalt  }
0x49: {  	_ =	shalt  }
0x4a: {  	_ =	shalt  }
0x4b: {  	_ =	shalt  }
0x4c: {  	_ =	shalt  }
0x4d: {  	_ =	shalt  }
0x4e: {  	_ =	shalt  }
0x4f: {  	_ =	shalt  }
0x50: {  	_ =	shalt  }
0x51: {  	_ =	shalt  }
0x52: {  	_ =	shalt  }
0x53: {  	_ =	shalt  }
0x54: {  	_ =	shalt  }
0x55: {  	_ =	shalt  }
0x56: {  	_ =	shalt  }
0x57: {  	_ =	shalt  }
0x58: {  	_ =	shalt  }
0x59: {  	_ =	shalt  }
0x5a: {  	_ =	shalt  }
0x5b: {  	_ =	shalt  }
0x5c: {  	_ =	shalt  }
0x5d: {  	_ =	shalt  }
0x5e: {  	_ =	shalt  }
0x5f: {  	_ =	shalt  }
0x60: {  	_ =	shalt  }
0x61: {  	_ =	shalt  }
0x62: {  	_ =	shalt  }
0x63: {  	_ =	shalt  }
0x64: {  	_ =	shalt  }
0x65: {  	_ =	shalt  }
0x66: {  	_ =	shalt  }
0x67: {  	_ =	shalt  }
0x68: {  	_ =	shalt  }
0x69: {  	_ =	shalt  }
0x6a: {  	_ =	shalt  }
0x6b: {  	_ =	shalt  }
0x6c: {  	_ =	shalt  }
0x6d: {  	_ =	shalt  }
0x6e: {  	_ =	shalt  }
0x6f: {  	_ =	shalt  }
0x70: {  	_ =	shalt  }
0x71: {  	_ =	shalt  }
0x72: {  	_ =	shalt  }
0x73: {  	_ =	shalt  }
0x74: {  	_ =	shalt  }
0x75: {  	_ =	shalt  }
0x76: {  	_ =	shalt  }
0x77: {  	_ =	shalt  }
0x78: {  	_ =	shalt  }
0x79: {  	_ =	shalt  }
0x7a: {  	_ =	shalt  }
0x7b: {  	_ =	shalt  }
0x7c: {  	_ =	shalt  }
0x7d: {  	_ =	shalt  }
0x7e: {  	_ =	shalt  }
0x7f: {  	_ =	shalt  }
0x80: {  	_ =	shalt  }
0x81: {  	_ =	shalt  }
0x82: {  	_ =	shalt  }
0x83: {  	_ =	shalt  }
0x84: {  	_ =	shalt  }
0x85: {  	_ =	shalt  }
0x86: {  	_ =	shalt  }
0x87: {  	_ =	shalt  }
.Lfunc_end0:
.L_simem_size_0:
called_computation.1_lowered:
.L_overlay_start_0:
0x88: {  	s2 =	sld [smem:$0x3FD9]  }
0x89: {  	s3 =	sld [smem:$0x3FFE];
	_ =	sdelay $0x1  }
0x8a: {  	s1 =	srdreg.scid  }
0x8b: {  	s0 =	sand.u32 $0x1, s1  }
0x8c: {  	s16 =	sshll.u32 s0, $0xA;
	s2 =	sadd.s32 s3, s2  }
0x8d: {  	s2 =	sadd.s32 s2, s16  }
0x8e: {  	[smem:$0x3FBB] =	sst s2  }
0x8f: {  	_ = 	snop  }
0x90: {  	(tm) =	ssettm $0x1  }
0x91: {  	s17 =	sld [smem:$0x3FFB];
	_ =	sdelay $0x3  }
0x92: {  	_ =	strace s17  }
0x93: {  	s2 =	sld [smem:$0x3FFC];
	_ =	sdelay $0x3  }
0x94: {  	_ =	strace s2  }
0x95: {  	s2 =	sld [smem:$0x3FFD];
	_ =	sdelay $0x3  }
0x96: {  	_ =	strace s2  }
0x97: {  	_ =	strace $0x8FFFFFFF  }
0x98: {  	s18 =	sld [smem:$0x3FDB];
	_ =	sdelay $0x1  }
0x99: {  	s19 =	simm.s32 $_scs_section_size  }
0x9a: {  	s4 =	simm.s32 $_size__tile_overlayer_lowered;
	s5 =	simm.s32 $_tile_overlayer_lowered  }
0x9b: {  	s22 =	simm.s32 $0x1BFF;
	s21 =	sshll.u32 s5, $0x1;
	s2 =	sadd.s32 s19, s18  }
0x9c: {  	s6 =	simm.s32 $0x0;
	s20 =	sshll.u32 s4, $0x1;
	s4 =	sadd.s32 s21, s2  }
0x9d: {  	[timem:s6], [sflag:s22] =	dma.local [hbm:s4], s20  }
0x9e: {  	_ =	swait.ge [sflag:s22], s20  }
0x9f: {  	s3 =	ssub.s32 $0x0, s20;
	[sflag:s22] =	ssyncset.done $0x0  }
0xa0: {  	[sflag:s22] =	ssyncadd.s32 s3;
	_ =	sdelay $0x1  }
0xa1: {  	s23 =	simm.s32 $0x1B8B  }
0xa2: {  	_ =	swait.ge [sflag:s23], $0x1  }
0xa3: {  	[sflag:s23] =	ssyncset.done $0x0  }
0xa4: {  	s25 =	simm.s32 $0x1B8E;
	s24 =	sld [smem:$0x3FFE];
	[sflag:s23] =	ssyncadd.s32 $0xFFFFFFFF  }
0xa5: {  	s26 =	simm.s32 $execute0_lowered;
	[smem:$0x3FD2] =	sst s25  }
0xa6: {  	s4 =	sshll.u32 s26, $0x1;
	_ =	strace $0x80000049;
	[dreg:$0x1] =	wrdreg $0xFFFFFFFF  }
0xa7: {  	s28 =	simm.s32 $_size_execute0_lowered;
	s2 =	sadd.s32 s2, s4;
	[dreg:$0x0] =	wrdreg $0x0  }
0xa8: {  	s4 =	sshll.u32 s28, $0x1;
	[dreg:$0x2] =	wrdreg s2  }
0xa9: {  	[dreg:$0x3] =	wrdreg s4  }
0xaa: {  	[dreg:$0x4] =	wrdreg $0xC0  }
0xab: {  	_ =	task [dreg:s6], $0x5FFFF  }
0xac: {  	[dreg:$0x1] =	wrdreg $0xFFFFFFFF  }
0xad: {  	[dreg:$0x0] =	wrdreg $0x60  }
0xae: {  	[dreg:$0x2] =	wrdreg s24  }
0xaf: {  	[dreg:$0x3] =	wrdreg $0xB7800  }
0xb0: {  	[dreg:$0x4] =	wrdreg $0x9  }
0xb1: {  	_ =	task.clear_ibuf [dreg:s6], $0x5FFFF;
	_ =	strace $0x90000049  }
0xb2: {  	s29 =	simm.s32 $0x9;
	_ =	strace $0x8000004B  }
0xb3: {  	_ =	swait.ge [sflag:s29], $0x1  }
0xb4: {  	[sflag:s29] =	ssyncadd.s32 $0xFFFFFFFF  }
0xb5: {  	_ =	strace $0x9000004B  }
0xb6: {  	_ =	sfence  }
0xb7: {  	s30 =	sld [smem:$0x0];
	_ =	sdelay $0x2  }
0xb8: {  	s31 =	sshll.u32 s1, $0xD;
	s1 =	sshrl.u32 s1, $0x2  }
0xb9: {  	s3 =	sand.u32 $0x4000, s31;
	s1 =	sadd.s32 s1, s30  }
0xba: {  	s0 =	sor.u32 s3, s0;
	s1 =	sshll.u32 s1, $0x11  }
0xbb: {  	s0 =	sor.u32 s1, s0  }
0xbc: {  	s0 =	sadd.s32 $0x8F2B, s0  }
0xbd: {  	[sflag:s0] =	ssyncadd.remote.s32 $0x1  }
0xbe: {  	_ =	sfence.sel $0xFFFF  }
0xbf: {  	[dreg:$0x0] =	wrdreg $0xFFFFFFFF;
	(pc) =	sbr.abs _section_cstart, $3  }
0xc0: {  	[dreg:$0x1] =	wrdreg $0xFFFFFFFF  }
0xc1: {  	_ =	task.clear_ibuf [dreg:s6], $0x2FFFF;
	_ =	strace $0x9FFFFFFF  }
0xc2: {  	(tm) =	ssettm $0x7FFFFFFF  }
0xc3: {  	_ =	shalt  }
tec
execute0_lowered:
.L_overlay_start_1:
0x0: {  	(tag) =	ssettag $0x1  }
0x1: {  	s0 =	rddreg [dreg:$0x0];
	s1 =	srdreg.scid  }
0x2: {  	s8 =	stileid.u32;
	s2 =	rddreg [dreg:$0x1];
	s4 =	simm.s32 $0x0  }
0x3: {  	s28 =	simm.s32 $0x1;
	s29 =	simm.s32 $0x2;
	s30 =	simm.s32 $0x50  }
0x4: {  	s31 =	simm.s32 $0x6780;
	s1 =	sand.u32 $0x1, s1;
	s15 =	smul.u32 $0x14000, s8  }
0x5: {  	s3 =	sshll.u32 s8, $0x1;
	[smem:$0x7FF] =	sst s4;
	s9 =	smul.u32 $0x50000, s8  }
0x6: {  	s4 =	sadd.s32 $0x1BC00, s0;
	s3 =	sor.u32 s1, s3;
	s21 =	smul.u32 $0x140000, s1  }
0x7: {  	_ =	strace $0x8000004A;
	s1 =	ssub.s32 $0x2, s1;
	s5 =	smul.u32 $0x4E2, s3  }
0x8: {  	s3 =	sshll.u32 s3, $0xB;
	s6 =	sshrl.u32 s1, $0x1;
	s26 =	sshrl.u32 s9, $0x2  }
0x9: {  	s18 =	sadd.s32 $0x7800, s15;
	s19 =	sadd.s32 $0xA000, s15;
	s22 =	sadd.s32 $0xC800, s15  }
0xa: {  	s23 =	sadd.s32 $0xF000, s15;
	s24 =	sadd.s32 $0x11800, s15;
	s3 =	sadd.s32 s3, s0  }
0xb: {  	s1 =	ssub.s32 s1, s6;
	s7 =	sadd.s32 s21, s15;
	s9 =	sadd.s32 s26, s2  }
0xc: {  	s12 =	sadd.s32 s18, s2;
	s13 =	sadd.s32 s19, s2;
	s14 =	sadd.s32 s22, s2  }
0xd: {  	s16 =	sadd.s32 s24, s2;
	s18 =	sadd.s32 s21, s18;
	s20 =	sadd.s32 s21, s19  }
0xe: {  	s22 =	sadd.s32 s21, s22;
	s5 =	sadd.s32 s5, s0;
	s0 =	sadd.s32 $0x42E00, s0  }
0xf: {  	s3 =	sadd.s32 $0xBC00, s3;
	s25 =	sshrl.u32 s7, $0x3;
	s8 =	smax.u32 s1, $0x1  }
0x10: {  	s20 =	sshrl.u32 s20, $0x3;
	s5 =	sadd.s32 $0x1E00, s5;
	[dreg:$0x4] =	wrdreg s3  }
0x11: {  	s7 =	sadd.s32 s0, s25;
	s3 =	sor.u32 $0x2800, s15;
	s20 =	sadd.s32 s0, s20  }
0x12: {  	s25 =	sadd.s32 s21, s23;
	[dreg:$0x3] =	wrdreg s5;
	s5 =	sadd.s32 $0x5000, s15  }
0x13: {  	s10 =	sadd.s32 s3, s2;
	s1 =	sadd.s32 s21, s3;
	s15 =	sadd.s32 s23, s2  }
0x14: {  	s3 =	sshrl.u32 s18, $0x3;
	s11 =	sadd.s32 s5, s2;
	s1 =	sshrl.u32 s1, $0x3  }
0x15: {  	s6 =	sadd.s32 s21, s5;
	s19 =	sadd.s32 s0, s3;
	s21 =	sadd.s32 s21, s24  }
0x16: {  	s3 =	sshrl.u32 s25, $0x3;
	s17 =	sadd.s32 s0, s1;
	s1 =	sshrl.u32 s6, $0x3  }
0x17: {  	s25 =	simm.s32 $0x8F80;
	s26 =	sshrl.u32 s21, $0x3;
	s18 =	sadd.s32 s0, s1  }
0x18: {  	s1 =	sshrl.u32 s22, $0x3;
	s22 =	sadd.s32 s0, s3;
	s23 =	sadd.s32 s0, s26  }
0x19: {  	v0 =	vimm.f32 $0.0e+00;
	s26 =	simm.s32 $0x3;
	s21 =	sadd.s32 s0, s1;
	s0 =	simm.s32 $0x0  }
.LBB2_1:
0x1a: {  	s1 =	simm.s32 $0x0;
	s3 =	rddreg [dreg:$0x3]  }
0x1b: {  	[tilespmem:s1], [sflag:$0x1] =	stream.linear.gather [hbm4b:s3+s1], $0x2710, $0x38;
	[tilespmem:$0x1F780] =	vst v63  }
0x1c: {  	s24 =	rddreg [dreg:$0x4];
	s5 =	simm.s32 $0x2780  }
0x1d: {  	[tilespmem:s5], [sflag:$0x2] =	stream.linear.gather [hbm4b:s24+s1], $0x3E80, $0x38;
	[tilespmem:$0x1F780] =	vst v63  }
0x1e: {  	s3 =	simm.s32 $0x200;
	s1 =	simm.s32 $0x0  }
.LBB2_2:
0x1f: {  	p0 =	sne.s32 s3, $0x9E00;
	[tilespmem:s1+$0x8FF0] =	vst v0  }
0x20: {  	[tilespmem:s1+$0x8F80] =	vst v0  }
0x21: {  	[tilespmem:s1+$0x8F90] =	vst v0  }
.Ltmp0:
0x22: {  	[tilespmem:s1+$0x8FA0] =	vst v0;
	(pc) =	sbr.rel @p0 .LBB2_2-.Ltmp0, $4  }
0x23: {  	[tilespmem:s1+$0x8FB0] =	vst v0  }
0x24: {  	[tilespmem:s1+$0x8FC0] =	vst v0  }
0x25: {  	[tilespmem:s1+$0x8FD0] =	vst v0  }
0x26: {  	[tilespmem:s1+$0x8FE0] =	vst v0;
	s1 =	sshra.s32 s3, $0x2;
	s3 =	sadd.s32 $0x200, s3  }
0x27: {  	[tilespmem:s1+$0x8FF0] =	vst v0  }
0x28: {  	[tilespmem:s1+$0x8F80] =	vst v0  }
0x29: {  	[tilespmem:s1+$0x8F90] =	vst v0  }
0x2a: {  	[tilespmem:s1+$0x8FA0] =	vst v0  }
0x2b: {  	[tilespmem:s1+$0x8FB0] =	vst v0  }
0x2c: {  	[tilespmem:s1+$0x8FC0] =	vst v0  }
0x2d: {  	[tilespmem:s1+$0x8FD0] =	vst v0  }
0x2e: {  	[tilespmem:s1+$0x8FE0] =	vst v0  }
0x2f: {  	[spmem:s9] =	stream.linear.scatter [tilespmem:s25], [sflag:$0x3], $0x2800, $0x38;
	[tilespmem:$0x1F780] =	vst v63  }
0x30: {  	_ =	swait.ge [sflag:s26], $0x2800  }
0x31: {  	[sflag:s26] =	ssyncset.done $0x0  }
0x32: {  	[sflag:s26] =	ssyncadd.s32 $0xFFFFD800  }
0x33: {  	[spmem:s10] =	stream.linear.scatter [tilespmem:s25], [sflag:$0x3], $0x2800, $0x38;
	[tilespmem:$0x1F780] =	vst v63  }
0x34: {  	_ =	swait.ge [sflag:s26], $0x2800  }
0x35: {  	[sflag:s26] =	ssyncset.done $0x0  }
0x36: {  	[sflag:s26] =	ssyncadd.s32 $0xFFFFD800  }
0x37: {  	[spmem:s11] =	stream.linear.scatter [tilespmem:s25], [sflag:$0x3], $0x2800, $0x38;
	[tilespmem:$0x1F780] =	vst v63  }
0x38: {  	_ =	swait.ge [sflag:s26], $0x2800  }
0x39: {  	[sflag:s26] =	ssyncset.done $0x0  }
0x3a: {  	[sflag:s26] =	ssyncadd.s32 $0xFFFFD800  }
0x3b: {  	[spmem:s12] =	stream.linear.scatter [tilespmem:s25], [sflag:$0x3], $0x2800, $0x38;
	[tilespmem:$0x1F780] =	vst v63  }
0x3c: {  	_ =	swait.ge [sflag:s26], $0x2800  }
0x3d: {  	[sflag:s26] =	ssyncset.done $0x0  }
0x3e: {  	[sflag:s26] =	ssyncadd.s32 $0xFFFFD800  }
0x3f: {  	[spmem:s13] =	stream.linear.scatter [tilespmem:s25], [sflag:$0x3], $0x2800, $0x38;
	[tilespmem:$0x1F780] =	vst v63  }
0x40: {  	_ =	swait.ge [sflag:s26], $0x2800  }
0x41: {  	[sflag:s26] =	ssyncset.done $0x0  }
0x42: {  	[sflag:s26] =	ssyncadd.s32 $0xFFFFD800  }
0x43: {  	[spmem:s14] =	stream.linear.scatter [tilespmem:s25], [sflag:$0x3], $0x2800, $0x38;
	[tilespmem:$0x1F780] =	vst v63  }
0x44: {  	_ =	swait.ge [sflag:s26], $0x2800  }
0x45: {  	[sflag:s26] =	ssyncset.done $0x0  }
0x46: {  	[sflag:s26] =	ssyncadd.s32 $0xFFFFD800  }
0x47: {  	[spmem:s15] =	stream.linear.scatter [tilespmem:s25], [sflag:$0x3], $0x2800, $0x38;
	[tilespmem:$0x1F780] =	vst v63  }
0x48: {  	_ =	swait.ge [sflag:s26], $0x2800  }
0x49: {  	[sflag:s26] =	ssyncset.done $0x0  }
0x4a: {  	[sflag:s26] =	ssyncadd.s32 $0xFFFFD800  }
0x4b: {  	[spmem:s16] =	stream.linear.scatter [tilespmem:s25], [sflag:$0x3], $0x2800, $0x38;
	[tilespmem:$0x1F780] =	vst v63  }
0x4c: {  	_ =	swait.ge [sflag:s26], $0x2800  }
0x4d: {  	[sflag:s26] =	ssyncset.done $0x0  }
0x4e: {  	[sflag:s26] =	ssyncadd.s32 $0xFFFFD800  }
0x4f: {  	_ =	swait.ge [sflag:s28], $0x2710  }
0x50: {  	[sflag:s28] =	ssyncset.done $0x0  }
0x51: {  	[sflag:s28] =	ssyncadd.s32 $0xFFFFD8F0  }
0x52: {  	_ =	swait.ge [sflag:s29], $0x3E80  }
0x53: {  	[sflag:s29] =	ssyncset.done $0x0  }
0x54: {  	s3 =	simm.s32 $0x0;
	[sflag:s29] =	ssyncadd.s32 $0xFFFFC180  }
0x55: {  	[tilespmem:s31], [sflag:$0x1] =	stream.indirect.gather [hbm4b:s4+s30], $0x80, s3, s30, $0xb8;
	[tilespmem:$0x1F780] =	vst v63  }
0x56: {  	_ = 	snop  }
0x57: {  	[tilespmem:s25], [sflag:$0x2] =	stream.indirect.gather [hbm4b:s4+s30], $0x80, s30, s30, $0xb8;
	[tilespmem:$0x1F780] =	vst v63  }
0x58: {  	[bflag:$0x0] =	sbarrier.arrive $0xFFFF  }
0x59: {  	_ =	swait.ge [sflag:s28], $0x2800  }
0x5a: {  	[sflag:s28] =	ssyncset.done $0x0  }
0x5b: {  	s5 =	simm.s32 $0x2780;
	[sflag:s28] =	ssyncadd.s32 $0xFFFFD800  }
0x5c: {  	[spmem:s2] =	stream.indirect.scatter.add.f32 [tilespmem:s31], [sflag:$0x3], $0x80, s5, s30, $0xb8;
	[tilespmem:$0x1F780] =	vst v63  }
0x5d: {  	_ =	swait.ge [sflag:s26], $0x2800  }
0x5e: {  	[sflag:s26] =	ssyncset.done $0x0  }
0x5f: {  	s6 =	simm.s32 $0xA0;
	[sflag:s26] =	ssyncadd.s32 $0xFFFFD800  }
0x60: {  	[tilespmem:s31], [sflag:$0x1] =	stream.indirect.gather [hbm4b:s4+s30], $0x80, s6, s30, $0xb8;
	[tilespmem:$0x1F780] =	vst v63  }
0x61: {  	_ =	swait.ge [sflag:s29], $0x2800  }
0x62: {  	[sflag:s29] =	ssyncset.done $0x0  }
0x63: {  	s24 =	simm.s32 $0x2800;
	[sflag:s29] =	ssyncadd.s32 $0xFFFFD800  }
0x64: {  	[spmem:s2] =	stream.indirect.scatter.add.f32 [tilespmem:s25], [sflag:$0x3], $0x80, s24, s30, $0xb8;
	[tilespmem:$0x1F780] =	vst v63  }
0x65: {  	_ =	swait.ge [sflag:s26], $0x2800  }
0x66: {  	s1 =	simm.s32 $0x400;
	[sflag:s26] =	ssyncset.done $0x0  }
0x67: {  	s3 =	simm.s32 $0x190;
	s24 =	simm.s32 $0xF0;
	[sflag:s26] =	ssyncadd.s32 $0xFFFFD800  }
.LBB2_4:
0x68: {  	[tilespmem:s25], [sflag:$0x2] =	stream.indirect.gather [hbm4b:s4+s30], $0x80, s24, s30, $0xb8;
	[tilespmem:$0x1F780] =	vst v63  }
0x69: {  	s5 =	smov.u32 s1;
	s24 =	smov.u32 s3  }
0x6a: {  	p0 =	sne.s32 s1, $0xF000;
	s1 =	sadd.s32 $0x400, s1;
	_ =	swait.ge [sflag:s28], $0x2800  }
0x6b: {  	s5 =	sshra.s32 s5, $0x2;
	[sflag:s28] =	ssyncset.done $0x0  }
0x6c: {  	s6 =	sadd.s32 $0x2780, s5;
	[sflag:s28] =	ssyncadd.s32 $0xFFFFD800  }
0x6d: {  	[spmem:s2] =	stream.indirect.scatter.add.f32 [tilespmem:s31], [sflag:$0x3], $0x80, s6, s30, $0xb8;
	[tilespmem:$0x1F780] =	vst v63  }
0x6e: {  	_ =	swait.ge [sflag:s26], $0x2800  }
0x6f: {  	[sflag:s26] =	ssyncset.done $0x0  }
0x70: {  	s6 =	sadd.s32 $0xFFFFFFB0, s3;
	[sflag:s26] =	ssyncadd.s32 $0xFFFFD800  }
0x71: {  	[tilespmem:s31], [sflag:$0x1] =	stream.indirect.gather [hbm4b:s4+s30], $0x80, s6, s30, $0xb8;
	[tilespmem:$0x1F780] =	vst v63  }
0x72: {  	_ =	swait.ge [sflag:s29], $0x2800  }
0x73: {  	[sflag:s29] =	ssyncset.done $0x0  }
.Ltmp1:
0x74: {  	s5 =	sadd.s32 $0x2800, s5;
	[sflag:s29] =	ssyncadd.s32 $0xFFFFD800;
	(pc) =	sbr.rel @p0 .LBB2_4-.Ltmp1, $4  }
0x75: {  	[spmem:s2] =	stream.indirect.scatter.add.f32 [tilespmem:s25], [sflag:$0x3], $0x80, s5, s30, $0xb8;
	[tilespmem:$0x1F780] =	vst v63  }
0x76: {  	_ =	swait.ge [sflag:s26], $0x2800  }
0x77: {  	[sflag:s26] =	ssyncset.done $0x0  }
0x78: {  	s3 =	sadd.s32 $0xA0, s3;
	[sflag:s26] =	ssyncadd.s32 $0xFFFFD800  }
0x79: {  	[tilespmem:s25], [sflag:$0x2] =	stream.indirect.gather [hbm4b:s4+s30], $0x80, s24, s30, $0xb8;
	[tilespmem:$0x1F780] =	vst v63  }
0x7a: {  	_ =	swait.ge [sflag:s28], $0x2800  }
0x7b: {  	[sflag:s28] =	ssyncset.done $0x0  }
0x7c: {  	s1 =	simm.s32 $0x6480;
	[sflag:s28] =	ssyncadd.s32 $0xFFFFD800  }
0x7d: {  	[spmem:s2] =	stream.indirect.scatter.add.f32 [tilespmem:s31], [sflag:$0x3], $0x80, s1, s30, $0xb8;
	[tilespmem:$0x1F780] =	vst v63  }
0x7e: {  	_ =	swait.ge [sflag:s26], $0x2800  }
0x7f: {  	[sflag:s26] =	ssyncset.done $0x0  }
0x80: {  	s24 =	simm.s32 $0x26C0;
	[sflag:s26] =	ssyncadd.s32 $0xFFFFD800  }
0x81: {  	[tilespmem:s31], [sflag:$0x1] =	stream.indirect.gather [hbm4b:s4+s30], $0x80, s24, s30, $0xb8;
	[tilespmem:$0x1F780] =	vst v63  }
0x82: {  	_ =	swait.ge [sflag:s29], $0x2800  }
0x83: {  	[sflag:s29] =	ssyncset.done $0x0  }
0x84: {  	s3 =	simm.s32 $0x6500;
	[sflag:s29] =	ssyncadd.s32 $0xFFFFD800  }
0x85: {  	[spmem:s2] =	stream.indirect.scatter.add.f32 [tilespmem:s25], [sflag:$0x3], $0x80, s3, s30, $0xb8;
	[tilespmem:$0x1F780] =	vst v63  }
0x86: {  	_ =	swait.ge [sflag:s26], $0x2800  }
0x87: {  	[sflag:s26] =	ssyncset.done $0x0  }
0x88: {  	[sflag:s26] =	ssyncadd.s32 $0xFFFFD800  }
0x89: {  	_ =	swait.ge [sflag:s28], $0x2800  }
0x8a: {  	[sflag:s28] =	ssyncset.done $0x0  }
0x8b: {  	s5 =	simm.s32 $0x6580;
	[sflag:s28] =	ssyncadd.s32 $0xFFFFD800  }
0x8c: {  	[spmem:s2] =	stream.indirect.scatter.add.f32 [tilespmem:s31], [sflag:$0x3], $0x80, s5, s30, $0xb8;
	[tilespmem:$0x1F780] =	vst v63  }
0x8d: {  	_ =	swait.ge [sflag:s26], $0x2800  }
0x8e: {  	s6 =	stileid.u32;
	[sflag:s26] =	ssyncset.done $0x0  }
0x8f: {  	s1 =	sshll.u32 s6, $0x6;
	[sflag:s26] =	ssyncadd.s32 $0xFFFFD800  }
0x90: {  	s1 =	sor.u32 $0x1C03, s1;
	s3 =	sshrl.u32 s9, $0x3;
	[bflag:$0x0] =	sbarrier.arrive $0xFFFF  }
0x91: {  	[hbm:s7], [sflag:s1] =	dma.local [spmem:s3], $0x500  }
0x92: {  	_ =	swait.ge [sflag:s26], $0x500  }
0x93: {  	[sflag:s26] =	ssyncset.done $0x0  }
0x94: {  	s24 =	sshrl.u32 s10, $0x3;
	[sflag:s26] =	ssyncadd.s32 $0xFFFFFB00  }
0x95: {  	[hbm:s17], [sflag:s1] =	dma.local [spmem:s24], $0x500  }
0x96: {  	_ =	swait.ge [sflag:s26], $0x500  }
0x97: {  	[sflag:s26] =	ssyncset.done $0x0  }
0x98: {  	s5 =	sshrl.u32 s11, $0x3;
	[sflag:s26] =	ssyncadd.s32 $0xFFFFFB00  }
0x99: {  	[hbm:s18], [sflag:s1] =	dma.local [spmem:s5], $0x500  }
0x9a: {  	_ =	swait.ge [sflag:s26], $0x500  }
0x9b: {  	[sflag:s26] =	ssyncset.done $0x0  }
0x9c: {  	s6 =	sshrl.u32 s12, $0x3;
	[sflag:s26] =	ssyncadd.s32 $0xFFFFFB00  }
0x9d: {  	[hbm:s19], [sflag:s1] =	dma.local [spmem:s6], $0x500  }
0x9e: {  	_ =	swait.ge [sflag:s26], $0x500  }
0x9f: {  	[sflag:s26] =	ssyncset.done $0x0  }
0xa0: {  	s24 =	sshrl.u32 s13, $0x3;
	[sflag:s26] =	ssyncadd.s32 $0xFFFFFB00  }
0xa1: {  	[hbm:s20], [sflag:s1] =	dma.local [spmem:s24], $0x500  }
0xa2: {  	_ =	swait.ge [sflag:s26], $0x500  }
0xa3: {  	[sflag:s26] =	ssyncset.done $0x0  }
0xa4: {  	s5 =	sshrl.u32 s14, $0x3;
	[sflag:s26] =	ssyncadd.s32 $0xFFFFFB00  }
0xa5: {  	[hbm:s21], [sflag:s1] =	dma.local [spmem:s5], $0x500  }
0xa6: {  	_ =	swait.ge [sflag:s26], $0x500  }
0xa7: {  	[sflag:s26] =	ssyncset.done $0x0  }
0xa8: {  	s6 =	sshrl.u32 s15, $0x3;
	[sflag:s26] =	ssyncadd.s32 $0xFFFFFB00  }
0xa9: {  	[hbm:s22], [sflag:s1] =	dma.local [spmem:s6], $0x500  }
0xaa: {  	s0 =	sadd.s32 $0x1, s0;
	_ =	swait.ge [sflag:s26], $0x500  }
0xab: {  	p0 =	sne.s32 s0, s8;
	[sflag:s26] =	ssyncset.done $0x0  }
.Ltmp2:
0xac: {  	s24 =	sshrl.u32 s16, $0x3;
	[sflag:s26] =	ssyncadd.s32 $0xFFFFFB00;
	(pc) =	sbr.rel @p0 .LBB2_1-.Ltmp2, $4  }
0xad: {  	[hbm:s23], [sflag:s1] =	dma.local [spmem:s24], $0x500  }
0xae: {  	_ =	swait.ge [sflag:s26], $0x500  }
0xaf: {  	[sflag:s26] =	ssyncset.done $0x0  }
0xb0: {  	[sflag:s26] =	ssyncadd.s32 $0xFFFFFB00  }
0xb1: {  	_ =	sfence.sel $0x180000  }
0xb2: {  	[bflag:$0x0] =	sbarrier.arrive $0xFFFF  }
0xb3: {  	_ =	strace $0x9000004A  }
0xb4: {  	s0 =	stileid.u32;
	[bflag:$0x2] =	sbarrier.arrive $0xFFFF  }
0xb5: {  	p0 =	sne.s32 s0, $0x0;
	s0 =	rddreg [dreg:$0x2]  }
0xb6: {  	s0 =	sadd.s32 @!p0 $0x100000, s0  }
0xb7: {  	[sflag:s0] =	ssyncadd.tile.s32 @!p0 $0x1;
	_ =	shalt  }
.Lfunc_end2:
_tile_overlayer_lowered:
.L_overlay_start_2:
0xb8: {  	(tag) =	ssettag $0x2  }
0xb9: {  	s0 =	rddreg [dreg:$0x0];
	s2 =	stileid.u32  }
0xba: {  	s1 =	rddreg [dreg:$0x1];
	p0 =	sne.s32 s2, $0x0  }
0xbb: {  	s3 =	rddreg [dreg:$0x2];
	[bflag:$0x3] =	sbarrier.arrive $0xFFFF;
	s2 =	simm.s32 @!p0 $0x1C03  }
0xbc: {  	[timem:s3], [sflag:s2] =	dma.local @!p0 [hbm:s0], s1  }
0xbd: {  	s0 =	simm.s32 @!p0 $0x3  }
0xbe: {  	_ =	swait.ge @!p0 [sflag:s0], s1  }
0xbf: {  	s1 =	ssub.s32 @!p0 $0x0, s1;
	[sflag:s0] =	ssyncset.done @!p0 $0x0  }
0xc0: {  	[sflag:s0] =	ssyncadd.s32 @!p0 s1  }
0xc1: {  	[bflag:$0x3] =	sbarrier.arrive $0xFFFF  }
0xc2: {  	_ =	shalt  }

</sc_bundles>
